<compile_context>
chip_gen: v7x
topology: tpu7x:2x2x1
jax: 0.10.2.dev20260603
libtpu: 0.0.44.dev20260713+nightly
codegen_flags: <defaults>
</compile_context>

<pallas_src>
import functools

import jax
import jax.numpy as jnp
from jax import lax
from jax.experimental import pallas as pl
from jax.experimental.pallas import tpu as pltpu
from jax.experimental.pallas import tpu_sc as plsc

N = 10000
E = 320000
IN = 128
HID = 128
OUT = 64
B = 256

NC = 2
NS = 16
NW = NC * NS
CHUNK = 128
K = -(-E // (NW * CHUNK))
KE = K + (K % 2)
EPAD = NW * CHUNK * KE
NPAD = 10240
ROWS_PER_TILE = NPAD // NS
ZROWS = 16
NB = 256
NGRID = NPAD // NB

_mesh = plsc.VectorSubcoreMesh(core_axis_name="c", subcore_axis_name="s",
                               num_cores=NC, num_subcores=NS)


def _sc_agg_body(want_deg, table, src3, dst3, *rest):
    if want_deg:
        (out_sum, out_deg, srcA, dstA, rowsA, zbuf,
         sum_sh, semA) = rest
    else:
        (out_sum, srcA, dstA, rowsA, zbuf,
         sum_sh, semA) = rest
    c = lax.axis_index("c")
    s = lax.axis_index("s")
    wid = c * NS + s
    off = s * ROWS_PER_TILE
    hoff = c * NPAD + off
    zero16 = jnp.zeros((16,), jnp.float32)

    def zero_zbuf(i, _):
        zbuf[i // 8, pl.ds((i % 8) * 16, 16)] = zero16
        return 0

    def zero_table(j, _):
        pltpu.sync_copy(zbuf, sum_sh.at[pl.ds(off + j * ZROWS, ZROWS)])
        return 0

    lax.fori_loop(0, ZROWS * (HID // 16), zero_zbuf, 0)
    lax.fori_loop(0, ROWS_PER_TILE // ZROWS, zero_table, 0)
    plsc.subcore_barrier()

    def step(k, _):
        row = wid * KE + k
        pltpu.sync_copy(src3.at[row], srcA)
        pltpu.sync_copy(dst3.at[row], dstA)
        pltpu.async_copy(table.at[srcA], rowsA, semA).wait()
        pltpu.sync_copy(rowsA, sum_sh.at[dstA], add=True)
        return 0

    lax.fori_loop(0, KE, step, 0)
    plsc.subcore_barrier()
    pltpu.sync_copy(sum_sh.at[pl.ds(off, ROWS_PER_TILE)],
                    out_sum.at[pl.ds(hoff, ROWS_PER_TILE)])

    if want_deg:
        plsc.subcore_barrier()
        lax.fori_loop(0, ROWS_PER_TILE // ZROWS, zero_table, 0)

        one16 = jnp.ones((16,), jnp.float32)

        def fill_ones(i, _):
            rowsA[i // 8, pl.ds((i % 8) * 16, 16)] = one16
            return 0

        lax.fori_loop(0, CHUNK * (HID // 16), fill_ones, 0)
        plsc.subcore_barrier()

        def step_deg(k, _):
            pltpu.sync_copy(dst3.at[wid * KE + k], dstA)
            pltpu.sync_copy(rowsA, sum_sh.at[dstA], add=True)
            return 0

        lax.fori_loop(0, KE, step_deg, 0)
        plsc.subcore_barrier()
        pltpu.sync_copy(sum_sh.at[pl.ds(off, ROWS_PER_TILE)],
                        out_deg.at[pl.ds(hoff, ROWS_PER_TILE)])


_sc_agg_deg = pl.kernel(
    functools.partial(_sc_agg_body, True),
    out_type=[jax.ShapeDtypeStruct((NC * NPAD, HID), jnp.float32),
              jax.ShapeDtypeStruct((NC * NPAD, HID), jnp.float32)],
    mesh=_mesh,
    scratch_types=[
        pltpu.VMEM((CHUNK,), jnp.int32),
        pltpu.VMEM((CHUNK,), jnp.int32),
        pltpu.VMEM((CHUNK, HID), jnp.float32),
        pltpu.VMEM((ZROWS, HID), jnp.float32),
        pltpu.VMEM_SHARED((NPAD, HID), jnp.float32),
        pltpu.SemaphoreType.DMA,
    ],
)

_sc_agg = pl.kernel(
    functools.partial(_sc_agg_body, False),
    out_type=[jax.ShapeDtypeStruct((NC * NPAD, HID), jnp.float32)],
    mesh=_mesh,
    scratch_types=[
        pltpu.VMEM((CHUNK,), jnp.int32),
        pltpu.VMEM((CHUNK,), jnp.int32),
        pltpu.VMEM((CHUNK, HID), jnp.float32),
        pltpu.VMEM((ZROWS, HID), jnp.float32),
        pltpu.VMEM_SHARED((NPAD, HID), jnp.float32),
        pltpu.SemaphoreType.DMA,
    ],
)

_P = jax.lax.Precision.HIGHEST


def _h1_body(sum_ref, deg_ref, x_ref, wl_ref, wr_ref, b_ref, out_ref):
    ssum = sum_ref[0] + sum_ref[1]
    deg = deg_ref[0, :, 0:1] + deg_ref[1, :, 0:1]
    mean = ssum / jnp.maximum(deg, 1.0)
    h = (jnp.dot(mean, wl_ref[...], preferred_element_type=jnp.float32, precision=_P)
         + jnp.dot(x_ref[...], wr_ref[...], preferred_element_type=jnp.float32, precision=_P)
         + b_ref[...])
    out_ref[...] = jnp.maximum(h, 0.0)


def _final_body(sum_ref, deg_ref, h1_ref, p_ref, batch_ref, root_ref,
                wl_ref, wr_ref, b2_ref, wtop_ref, wbot_ref, blin_ref,
                out_ref, pooled_acc, cnt_acc, roots_acc):
    i = pl.program_id(0)

    @pl.when(i == 0)
    def _():
        pooled_acc[...] = jnp.zeros_like(pooled_acc)
        cnt_acc[...] = jnp.zeros_like(cnt_acc)
        roots_acc[...] = jnp.zeros_like(roots_acc)

    ssum = sum_ref[0] + sum_ref[1]
    deg = deg_ref[0, :, 0:1] + deg_ref[1, :, 0:1]
    mean2 = ssum / jnp.maximum(deg, 1.0)
    h2 = (jnp.dot(mean2, wl_ref[...], preferred_element_type=jnp.float32, precision=_P)
          + jnp.dot(h1_ref[...], wr_ref[...], preferred_element_type=jnp.float32, precision=_P)
          + b2_ref[...])

    iota_b = lax.broadcasted_iota(jnp.int32, (NB, B), 1)
    mask = (batch_ref[...] == iota_b).astype(jnp.float32)
    pw = mask * p_ref[...]
    dg = lambda a, b: lax.dot_general(a, b, (((0,), (0,)), ((), ())),
                                      preferred_element_type=jnp.float32,
                                      precision=_P)
    pooled_acc[...] += dg(pw, h2)
    cnt_acc[...] += dg(mask, jnp.ones((NB, HID), jnp.float32))
    rowid = i * NB + lax.broadcasted_iota(jnp.int32, (NB, B), 0)
    rmask = (rowid == root_ref[...]).astype(jnp.float32)
    roots_acc[...] += dg(rmask, h2)

    @pl.when(i == NGRID - 1)
    def _():
        pooled = pooled_acc[...] / jnp.maximum(cnt_acc[...], 1.0)
        out_ref[...] = (
            jnp.dot(roots_acc[...], wtop_ref[...], preferred_element_type=jnp.float32, precision=_P)
            + jnp.dot(pooled, wbot_ref[...], preferred_element_type=jnp.float32, precision=_P)
            + blin_ref[...])


def kernel(x, edge_index, p, batch, root_ptr,
           W_l1, W_r1, b1, W_l2, W_r2, b2, W_lin, b_lin):
    f32 = jnp.float32
    src = edge_index[0].astype(jnp.int32)
    dst = edge_index[1].astype(jnp.int32)
    src3 = jnp.concatenate([src, jnp.zeros((EPAD - E,), jnp.int32)]).reshape(NW * KE, CHUNK)
    dst3 = jnp.concatenate([dst, jnp.full((EPAD - E,), N, jnp.int32)]).reshape(NW * KE, CHUNK)
    x_pad = jnp.zeros((NPAD, IN), f32).at[:N].set(x)

    sum1, deg = _sc_agg_deg(x_pad, src3, dst3)
    sum1 = sum1.reshape(NC, NPAD, HID)
    deg = deg.reshape(NC, NPAD, HID)

    h1 = pl.pallas_call(
        _h1_body,
        grid=(NGRID,),
        in_specs=[
            pl.BlockSpec((NC, NB, HID), lambda i: (0, i, 0)),
            pl.BlockSpec((NC, NB, HID), lambda i: (0, i, 0)),
            pl.BlockSpec((NB, IN), lambda i: (i, 0)),
            pl.BlockSpec((IN, HID), lambda i: (0, 0)),
            pl.BlockSpec((IN, HID), lambda i: (0, 0)),
            pl.BlockSpec((1, HID), lambda i: (0, 0)),
        ],
        out_specs=pl.BlockSpec((NB, HID), lambda i: (i, 0)),
        out_shape=jax.ShapeDtypeStruct((NPAD, HID), f32),
    )(sum1, deg, x_pad, W_l1, W_r1, b1.reshape(1, HID))

    (sum2,) = _sc_agg(h1, src3, dst3)
    sum2 = sum2.reshape(NC, NPAD, HID)

    p_pad = jnp.zeros((NPAD, 1), f32).at[:N, 0].set(p)
    batch_pad = jnp.full((NPAD, 1), B, jnp.int32).at[:N, 0].set(batch.astype(jnp.int32))
    root_row = root_ptr.astype(jnp.int32).reshape(1, B)

    out = pl.pallas_call(
        _final_body,
        grid=(NGRID,),
        in_specs=[
            pl.BlockSpec((NC, NB, HID), lambda i: (0, i, 0)),
            pl.BlockSpec((NC, NB, HID), lambda i: (0, i, 0)),
            pl.BlockSpec((NB, HID), lambda i: (i, 0)),
            pl.BlockSpec((NB, 1), lambda i: (i, 0)),
            pl.BlockSpec((NB, 1), lambda i: (i, 0)),
            pl.BlockSpec((1, B), lambda i: (0, 0)),
            pl.BlockSpec((HID, HID), lambda i: (0, 0)),
            pl.BlockSpec((HID, HID), lambda i: (0, 0)),
            pl.BlockSpec((1, HID), lambda i: (0, 0)),
            pl.BlockSpec((HID, OUT), lambda i: (0, 0)),
            pl.BlockSpec((HID, OUT), lambda i: (0, 0)),
            pl.BlockSpec((1, OUT), lambda i: (0, 0)),
        ],
        out_specs=pl.BlockSpec((B, OUT), lambda i: (0, 0)),
        out_shape=jax.ShapeDtypeStruct((B, OUT), f32),
        scratch_shapes=[
            pltpu.VMEM((B, HID), f32),
            pltpu.VMEM((B, HID), f32),
            pltpu.VMEM((B, HID), f32),
        ],
    )(sum2, deg, h1, p_pad, batch_pad, root_row,
      W_l2, W_r2, b2.reshape(1, HID), W_lin[:HID], W_lin[HID:],
      b_lin.reshape(1, OUT))

    return out

# --- scband reference (transcript-rebuilt; emitter-appended) ---
"""Pipeline reference for scband-gnn-30227979829998 (READ-ONLY COPY).

The authoritative reference and input builder live on the scoring server;
editing this copy changes nothing except your own understanding.
"""

import jax, jax.numpy as jnp
import numpy as np

N = 10000
E = 320000
IN = 128
HID = 128
OUT = 64
B = 256


def setup_inputs(seed: int = 0) -> dict:
    key = jax.random.key(seed)
    ks = jax.random.split(key, 16)
    x = jax.random.normal(ks[0], (N, IN), dtype=jnp.float32)
    edge_index = jax.random.randint(ks[1], (2, E), 0, N)
    p = jax.random.uniform(ks[2], (N,), dtype=jnp.float32)
    batch = jnp.sort(jax.random.randint(ks[3], (N,), 0, B))
    root_ptr = jax.random.randint(ks[4], (B,), 0, N)
    # SAGEConv params: out = mean_aggr(x_j) @ W_l + x_i @ W_r + b
    s_in = 1.0 / np.sqrt(IN)
    s_hid = 1.0 / np.sqrt(HID)
    W_l1 = jax.random.normal(ks[5], (IN, HID), dtype=jnp.float32) * s_in
    W_r1 = jax.random.normal(ks[6], (IN, HID), dtype=jnp.float32) * s_in
    b1 = jnp.zeros((HID,), dtype=jnp.float32)
    W_l2 = jax.random.normal(ks[7], (HID, HID), dtype=jnp.float32) * s_hid
    W_r2 = jax.random.normal(ks[8], (HID, HID), dtype=jnp.float32) * s_hid
    b2 = jnp.zeros((HID,), dtype=jnp.float32)
    W_lin = jax.random.normal(ks[9], (2 * HID, OUT), dtype=jnp.float32) * (1.0 / np.sqrt(2 * HID))
    b_lin = jnp.zeros((OUT,), dtype=jnp.float32)
    return {"x": x, "edge_index": edge_index, "p": p, "batch": batch,
            "root_ptr": root_ptr, "W_l1": W_l1, "W_r1": W_r1, "b1": b1,
            "W_l2": W_l2, "W_r2": W_r2, "b2": b2, "W_lin": W_lin, "b_lin": b_lin}


def _sage_conv(x, src, dst, W_l, W_r, b):
    msgs = jnp.take(x, src, axis=0)                       # gather [E, d]
    agg = jax.ops.segment_sum(msgs, dst, num_segments=N)  # scatter-add [N, d]
    deg = jax.ops.segment_sum(jnp.ones((src.shape[0], 1), dtype=x.dtype), dst, num_segments=N)
    mean = agg / jnp.clip(deg, 1.0, None)
    return mean @ W_l + x @ W_r + b


def _global_mean_pool(h, batch):
    sums = jax.ops.segment_sum(h, batch, num_segments=B)
    cnts = jax.ops.segment_sum(jnp.ones((h.shape[0], 1), dtype=h.dtype), batch, num_segments=B)
    return sums / jnp.clip(cnts, 1.0, None)


def reference(x, edge_index, p, batch, root_ptr, W_l1, W_r1, b1, W_l2, W_r2, b2, W_lin, b_lin):
    src = edge_index[0]
    dst = edge_index[1]
    pcol = p.reshape(-1, 1)
    h = _sage_conv(x, src, dst, W_l1, W_r1, b1)
    h = jax.nn.relu(h)
    # dropout p=0.3 is identity in eval mode
    h = _sage_conv(h, src, dst, W_l2, W_r2, b2)
    roots = jnp.take(h, root_ptr, axis=0)                 # [B, HID]
    pooled = _global_mean_pool(h * pcol, batch)           # [B, HID]
    out = jnp.concatenate([roots, pooled], axis=-1) @ W_lin + b_lin
    return out

if __name__ == "__main__":
    import jax
    _d = setup_inputs()
    print(jax.jit(kernel)(*tuple(_d.values())))

</pallas_src>

<mosaic_0001>
#map = affine_map<(d0, d1) -> (0, 0)>
module attributes {stable_mosaic.version = 14 : i64} {
  func.func @_sc_agg_body(%arg0: i32, %arg1: i32, %arg2: memref<10240x128xf32, #tpu.memory_space<hbm>>, %arg3: memref<2560x128xi32, #tpu.memory_space<hbm>>, %arg4: memref<2560x128xi32, #tpu.memory_space<hbm>>, %arg5: memref<20480x128xf32, #tpu.memory_space<hbm>>, %arg6: memref<20480x128xf32, #tpu.memory_space<hbm>>, %arg7: memref<128xi32, #tpu.memory_space<vmem>>, %arg8: memref<128xi32, #tpu.memory_space<vmem>>, %arg9: memref<128x128xf32, #tpu.memory_space<vmem>>, %arg10: memref<16x128xf32, #tpu.memory_space<vmem>>, %arg11: memref<10240x128xf32, #tpu.memory_space<vmem_shared>>, %arg12: memref<!tpu.dma_semaphore, #tpu.memory_space<semaphore_mem>>) attributes {dimension_semantics = [#tpu.dimension_semantics<core_parallel>, #tpu.dimension_semantics<subcore_parallel>], iteration_bounds = array<i64: 2, 16>, scalar_prefetch = 0 : i64, scratch_operands = 6 : i64, tpu.core_type = #tpu.core_type<sc_vector_subcore>, window_params = [{transform_indices = #map}, {transform_indices = #map}, {transform_indices = #map}, {transform_indices = #map}, {transform_indices = #map}]} {
    %mul3A = arith.constant 16 : i32
    %mul3A_0 = arith.muli %arg0, %mul3A : i32
    %add3A = arith.addi %mul3A_0, %arg1 : i32
    %mul3A_1 = arith.constant 640 : i32
    %mul3A_2 = arith.muli %arg1, %mul3A_1 : i32
    %mul3A_3 = arith.constant 10240 : i32
    %mul3A_4 = arith.muli %arg0, %mul3A_3 : i32
    %add3A_5 = arith.addi %mul3A_4, %mul3A_2 : i32
    %broadcast_in_dim3A = arith.constant 0.000000e+00 : f32
    %broadcast_in_dim3A_6 = vector.broadcast %broadcast_in_dim3A : f32 to vector<16xf32>
    %scan3A = arith.constant 0 : i32
    %scan3A_7 = arith.constant 0 : i32
    %scan3A_8 = arith.constant 128 : i32
    %scan3A_9 = arith.addi %scan3A_7, %scan3A_8 : i32
    %scan3A_10 = arith.constant 1 : i32
    %scan3A_11 = scf.for %scan3A_54 = %scan3A_7 to %scan3A_9 step %scan3A_10 iter_args(%scan3A_55 = %scan3A) -> (i32)  : i32 {
      %jit3A = arith.constant 8 : i32
      %div3A = arith.divsi %scan3A_54, %jit3A : i32
      %sign3A = arith.constant 0 : i32
      %sign3A_56 = arith.cmpi sgt, %scan3A_54, %sign3A : i32
      %sign3A_57 = arith.extui %sign3A_56 : i1 to i32
      %sign3A_58 = arith.constant 0 : i32
      %sign3A_59 = arith.cmpi slt, %scan3A_54, %sign3A_58 : i32
      %sign3A_60 = arith.extui %sign3A_59 : i1 to i32
      %sign3A_61 = arith.subi %sign3A_57, %sign3A_60 : i32
      %sign3A_62 = arith.constant 0 : i32
      %sign3A_63 = arith.cmpi sgt, %jit3A, %sign3A_62 : i32
      %sign3A_64 = arith.extui %sign3A_63 : i1 to i32
      %sign3A_65 = arith.constant 0 : i32
      %sign3A_66 = arith.cmpi slt, %jit3A, %sign3A_65 : i32
      %sign3A_67 = arith.extui %sign3A_66 : i1 to i32
      %sign3A_68 = arith.subi %sign3A_64, %sign3A_67 : i32
      %ne3A = arith.cmpi ne, %sign3A_61, %sign3A_68 : i32
      %rem3A = arith.remsi %scan3A_54, %jit3A : i32
      %ne3A_69 = arith.constant 0 : i32
      %ne3A_70 = arith.cmpi ne, %rem3A, %ne3A_69 : i32
      %and3A = arith.andi %ne3A, %ne3A_70 : i1
      %sub3A = arith.constant 1 : i32
      %sub3A_71 = arith.subi %div3A, %sub3A : i32
      %select_n3A = arith.select %and3A, %sub3A_71, %div3A : i32
      %jit3A_72 = arith.constant 8 : i32
      %eq3A = arith.constant 0 : i32
      %eq3A_73 = arith.cmpi eq, %jit3A_72, %eq3A : i32
      %jit3A_74 = arith.constant 1 : i32
      %select_n3A_75 = arith.select %eq3A_73, %jit3A_74, %jit3A_72 : i32
      %rem3A_76 = arith.remsi %scan3A_54, %select_n3A_75 : i32
      %ne3A_77 = arith.constant 0 : i32
      %ne3A_78 = arith.cmpi ne, %rem3A_76, %ne3A_77 : i32
      %lt3A = arith.constant 0 : i32
      %lt3A_79 = arith.cmpi slt, %rem3A_76, %lt3A : i32
      %lt3A_80 = arith.constant 0 : i32
      %lt3A_81 = arith.cmpi slt, %select_n3A_75, %lt3A_80 : i32
      %ne3A_82 = arith.xori %lt3A_79, %lt3A_81 : i1
      %and3A_83 = arith.andi %ne3A_82, %ne3A_78 : i1
      %add3A_84 = arith.addi %rem3A_76, %select_n3A_75 : i32
      %select_n3A_85 = arith.select %and3A_83, %add3A_84, %rem3A_76 : i32
      %mul3A_86 = arith.constant 16 : i32
      %mul3A_87 = arith.muli %select_n3A_85, %mul3A_86 : i32
      %swap3A = arith.index_cast %select_n3A : i32 to index
      %swap3A_88 = arith.index_cast %mul3A_87 : i32 to index
      %swap3A_89 = tpu.vector_load %arg10[%swap3A, %swap3A_88] {strides = array<i32>} : memref<16x128xf32, #tpu.memory_space<vmem>>, vector<1x16xf32>,
      %swap3A_90 = vector.shape_cast %swap3A_89 : vector<1x16xf32> to vector<16xf32>
      %swap3A_91 = vector.shape_cast %broadcast_in_dim3A_6 : vector<16xf32> to vector<1x16xf32>
      tpu.vector_store %arg10[%swap3A, %swap3A_88], %swap3A_91 {strides = array<i32>} : memref<16x128xf32, #tpu.memory_space<vmem>>, vector<1x16xf32>,
      %scan3A_92 = arith.constant 0 : i32
      scf.yield %scan3A_92 : i32
    }
    %scan3A_12 = arith.constant 128 : i32
    %scan3A_13 = arith.constant 0 : i32
    %scan3A_14 = arith.constant 0 : i32
    %scan3A_15 = arith.constant 40 : i32
    %scan3A_16 = arith.addi %scan3A_14, %scan3A_15 : i32
    %scan3A_17 = arith.constant 1 : i32
    %scan3A_18 = scf.for %scan3A_54 = %scan3A_14 to %scan3A_16 step %scan3A_17 iter_args(%scan3A_55 = %scan3A_13) -> (i32)  : i32 {
      %mul3A_56 = arith.constant 16 : i32
      %mul3A_57 = arith.muli %scan3A_54, %mul3A_56 : i32
      %add3A_58 = arith.addi %mul3A_2, %mul3A_57 : i32
      "tpu.region"() ({
        %run_scoped3A = tpu.sem_alloc : memref<!tpu.dma_semaphore, #tpu.memory_space<semaphore_mem>>
        %dma_start3A = arith.constant 0 : i32
        %dma_start3A_60 = tpu.memref_slice %arg11[%add3A_58, %dma_start3A] : memref<10240x128xf32, #tpu.memory_space<vmem_shared>> -> memref<16x128xf32, #tpu.memory_space<vmem_shared>>
        %dma_start3A_61 = arith.constant 0 : i32
        %dma_start3A_62 = tpu.memref_slice %arg11[%add3A_58, %dma_start3A_61] : memref<10240x128xf32, #tpu.memory_space<vmem_shared>> -> memref<16x128xf32, #tpu.memory_space<vmem_shared>>
        tpu.enqueue_dma source(%arg10 : memref<16x128xf32, #tpu.memory_space<vmem>>) target(%dma_start3A_62 : memref<16x128xf32, #tpu.memory_space<vmem_shared>>) target_semaphore(%run_scoped3A : memref<!tpu.dma_semaphore, #tpu.memory_space<semaphore_mem>>)
        %dma_wait3A = arith.constant 0 : i32
        %dma_wait3A_63 = tpu.memref_slice %arg11[%add3A_58, %dma_wait3A] : memref<10240x128xf32, #tpu.memory_space<vmem_shared>> -> memref<16x128xf32, #tpu.memory_space<vmem_shared>>
        %dma_wait3A_64 = arith.constant 0 : i32
        %dma_wait3A_65 = tpu.memref_slice %arg11[%add3A_58, %dma_wait3A_64] : memref<10240x128xf32, #tpu.memory_space<vmem_shared>> -> memref<16x128xf32, #tpu.memory_space<vmem_shared>>
        tpu.wait_dma2 semaphore(%run_scoped3A : memref<!tpu.dma_semaphore, #tpu.memory_space<semaphore_mem>>) src(%arg10 : memref<16x128xf32, #tpu.memory_space<vmem>>) dst(%dma_wait3A_65 : memref<16x128xf32, #tpu.memory_space<vmem_shared>>)
        tpu.yield
      }) : () -> ()
      %scan3A_59 = arith.constant 0 : i32
      scf.yield %scan3A_59 : i32
    }
    %scan3A_19 = arith.constant 40 : i32
    %barrier3A = arith.constant 0 : index
    tpu.barrier barrier_id(%barrier3A)
    %scan3A_20 = arith.constant 0 : i32
    %scan3A_21 = arith.constant 0 : i32
    %scan3A_22 = arith.constant 80 : i32
    %scan3A_23 = arith.addi %scan3A_21, %scan3A_22 : i32
    %scan3A_24 = arith.constant 1 : i32
    %scan3A_25 = scf.for %scan3A_54 = %scan3A_21 to %scan3A_23 step %scan3A_24 iter_args(%scan3A_55 = %scan3A_20) -> (i32)  : i32 {
      %mul3A_56 = arith.constant 80 : i32
      %mul3A_57 = arith.muli %add3A, %mul3A_56 : i32
      %add3A_58 = arith.addi %mul3A_57, %scan3A_54 : i32
      "tpu.region"() ({
        %run_scoped3A = tpu.sem_alloc : memref<!tpu.dma_semaphore, #tpu.memory_space<semaphore_mem>>
        %dma_start3A_64 = arith.constant 0 : i32
        %dma_start3A_65 = tpu.memref_slice %arg3[%add3A_58, %dma_start3A_64] : memref<2560x128xi32, #tpu.memory_space<hbm>> -> memref<1x128xi32, #tpu.memory_space<hbm>>
        %dma_start3A_66 = tpu.memref_squeeze %dma_start3A_65 : memref<1x128xi32, #tpu.memory_space<hbm>> -> memref<128xi32, #tpu.memory_space<hbm>>
        %dma_start3A_67 = arith.constant 0 : i32
        %dma_start3A_68 = tpu.memref_slice %arg3[%add3A_58, %dma_start3A_67] : memref<2560x128xi32, #tpu.memory_space<hbm>> -> memref<1x128xi32, #tpu.memory_space<hbm>>
        %dma_start3A_69 = tpu.memref_squeeze %dma_start3A_68 : memref<1x128xi32, #tpu.memory_space<hbm>> -> memref<128xi32, #tpu.memory_space<hbm>>
        tpu.enqueue_dma source(%dma_start3A_69 : memref<128xi32, #tpu.memory_space<hbm>>) target(%arg7 : memref<128xi32, #tpu.memory_space<vmem>>) target_semaphore(%run_scoped3A : memref<!tpu.dma_semaphore, #tpu.memory_space<semaphore_mem>>)
        %dma_wait3A_70 = arith.constant 0 : i32
        %dma_wait3A_71 = tpu.memref_slice %arg3[%add3A_58, %dma_wait3A_70] : memref<2560x128xi32, #tpu.memory_space<hbm>> -> memref<1x128xi32, #tpu.memory_space<hbm>>
        %dma_wait3A_72 = tpu.memref_squeeze %dma_wait3A_71 : memref<1x128xi32, #tpu.memory_space<hbm>> -> memref<128xi32, #tpu.memory_space<hbm>>
        %dma_wait3A_73 = arith.constant 0 : i32
        %dma_wait3A_74 = tpu.memref_slice %arg3[%add3A_58, %dma_wait3A_73] : memref<2560x128xi32, #tpu.memory_space<hbm>> -> memref<1x128xi32, #tpu.memory_space<hbm>>
        %dma_wait3A_75 = tpu.memref_squeeze %dma_wait3A_74 : memref<1x128xi32, #tpu.memory_space<hbm>> -> memref<128xi32, #tpu.memory_space<hbm>>
        tpu.wait_dma2 semaphore(%run_scoped3A : memref<!tpu.dma_semaphore, #tpu.memory_space<semaphore_mem>>) src(%dma_wait3A_75 : memref<128xi32, #tpu.memory_space<hbm>>) dst(%arg7 : memref<128xi32, #tpu.memory_space<vmem>>)
        tpu.yield
      }) : () -> ()
      "tpu.region"() ({
        %run_scoped3A = tpu.sem_alloc : memref<!tpu.dma_semaphore, #tpu.memory_space<semaphore_mem>>
        %dma_start3A_64 = arith.constant 0 : i32
        %dma_start3A_65 = tpu.memref_slice %arg4[%add3A_58, %dma_start3A_64] : memref<2560x128xi32, #tpu.memory_space<hbm>> -> memref<1x128xi32, #tpu.memory_space<hbm>>
        %dma_start3A_66 = tpu.memref_squeeze %dma_start3A_65 : memref<1x128xi32, #tpu.memory_space<hbm>> -> memref<128xi32, #tpu.memory_space<hbm>>
        %dma_start3A_67 = arith.constant 0 : i32
        %dma_start3A_68 = tpu.memref_slice %arg4[%add3A_58, %dma_start3A_67] : memref<2560x128xi32, #tpu.memory_space<hbm>> -> memref<1x128xi32, #tpu.memory_space<hbm>>
        %dma_start3A_69 = tpu.memref_squeeze %dma_start3A_68 : memref<1x128xi32, #tpu.memory_space<hbm>> -> memref<128xi32, #tpu.memory_space<hbm>>
        tpu.enqueue_dma source(%dma_start3A_69 : memref<128xi32, #tpu.memory_space<hbm>>) target(%arg8 : memref<128xi32, #tpu.memory_space<vmem>>) target_semaphore(%run_scoped3A : memref<!tpu.dma_semaphore, #tpu.memory_space<semaphore_mem>>)
        %dma_wait3A_70 = arith.constant 0 : i32
        %dma_wait3A_71 = tpu.memref_slice %arg4[%add3A_58, %dma_wait3A_70] : memref<2560x128xi32, #tpu.memory_space<hbm>> -> memref<1x128xi32, #tpu.memory_space<hbm>>
        %dma_wait3A_72 = tpu.memref_squeeze %dma_wait3A_71 : memref<1x128xi32, #tpu.memory_space<hbm>> -> memref<128xi32, #tpu.memory_space<hbm>>
        %dma_wait3A_73 = arith.constant 0 : i32
        %dma_wait3A_74 = tpu.memref_slice %arg4[%add3A_58, %dma_wait3A_73] : memref<2560x128xi32, #tpu.memory_space<hbm>> -> memref<1x128xi32, #tpu.memory_space<hbm>>
        %dma_wait3A_75 = tpu.memref_squeeze %dma_wait3A_74 : memref<1x128xi32, #tpu.memory_space<hbm>> -> memref<128xi32, #tpu.memory_space<hbm>>
        tpu.wait_dma2 semaphore(%run_scoped3A : memref<!tpu.dma_semaphore, #tpu.memory_space<semaphore_mem>>) src(%dma_wait3A_75 : memref<128xi32, #tpu.memory_space<hbm>>) dst(%arg8 : memref<128xi32, #tpu.memory_space<vmem>>)
        tpu.yield
      }) : () -> ()
      %dma_start3A = arith.constant 0 : i32
      %dma_start3A_59 = arith.constant 0 : i32
      %dma_start3A_60 = tpu.memref_slice %arg2[%dma_start3A, %dma_start3A_59] : memref<10240x128xf32, #tpu.memory_space<hbm>> -> memref<10240x128xf32, #tpu.memory_space<hbm>>
      tpu.enqueue_indirect_dma source(%dma_start3A_60 : memref<10240x128xf32, #tpu.memory_space<hbm>>) target(%arg9 : memref<128x128xf32, #tpu.memory_space<vmem>>) offsets(%arg7 : memref<128xi32, #tpu.memory_space<vmem>>) semaphore(%arg12 : memref<!tpu.dma_semaphore, #tpu.memory_space<semaphore_mem>>)
      %dma_wait3A = arith.constant 0 : i32
      %dma_wait3A_61 = arith.constant 0 : i32
      %dma_wait3A_62 = tpu.memref_slice %arg2[%dma_wait3A, %dma_wait3A_61] : memref<10240x128xf32, #tpu.memory_space<hbm>> -> memref<10240x128xf32, #tpu.memory_space<hbm>>
      tpu.wait_indirect_dma semaphore(%arg12 : memref<!tpu.dma_semaphore, #tpu.memory_space<semaphore_mem>>) src(%dma_wait3A_62 : memref<10240x128xf32, #tpu.memory_space<hbm>>) dst(%arg9 : memref<128x128xf32, #tpu.memory_space<vmem>>)
      "tpu.region"() ({
        %run_scoped3A = tpu.sem_alloc : memref<!tpu.dma_semaphore, #tpu.memory_space<semaphore_mem>>
        %dma_start3A_64 = arith.constant 0 : i32
        %dma_start3A_65 = arith.constant 0 : i32
        %dma_start3A_66 = tpu.memref_slice %arg11[%dma_start3A_64, %dma_start3A_65] : memref<10240x128xf32, #tpu.memory_space<vmem_shared>> -> memref<10240x128xf32, #tpu.memory_space<vmem_shared>>
        tpu.enqueue_indirect_dma source(%arg9 : memref<128x128xf32, #tpu.memory_space<vmem>>) target(%dma_start3A_66 : memref<10240x128xf32, #tpu.memory_space<vmem_shared>>) offsets(%arg8 : memref<128xi32, #tpu.memory_space<vmem>>) semaphore(%run_scoped3A : memref<!tpu.dma_semaphore, #tpu.memory_space<semaphore_mem>>) {add = true}
        %dma_wait3A_67 = arith.constant 0 : i32
        %dma_wait3A_68 = arith.constant 0 : i32
        %dma_wait3A_69 = tpu.memref_slice %arg11[%dma_wait3A_67, %dma_wait3A_68] : memref<10240x128xf32, #tpu.memory_space<vmem_shared>> -> memref<10240x128xf32, #tpu.memory_space<vmem_shared>>
        tpu.wait_indirect_dma semaphore(%run_scoped3A : memref<!tpu.dma_semaphore, #tpu.memory_space<semaphore_mem>>) src(%arg9 : memref<128x128xf32, #tpu.memory_space<vmem>>) dst(%dma_wait3A_69 : memref<10240x128xf32, #tpu.memory_space<vmem_shared>>)
        tpu.yield
      }) : () -> ()
      %scan3A_63 = arith.constant 0 : i32
      scf.yield %scan3A_63 : i32
    }
    %scan3A_26 = arith.constant 80 : i32
    %barrier3A_27 = arith.constant 0 : index
    tpu.barrier barrier_id(%barrier3A_27)
    "tpu.region"() ({
      %run_scoped3A = tpu.sem_alloc : memref<!tpu.dma_semaphore, #tpu.memory_space<semaphore_mem>>
      %dma_start3A = arith.constant 0 : i32
      %dma_start3A_54 = tpu.memref_slice %arg5[%add3A_5, %dma_start3A] : memref<20480x128xf32, #tpu.memory_space<hbm>> -> memref<640x128xf32, #tpu.memory_space<hbm>>
      %dma_start3A_55 = arith.constant 0 : i32
      %dma_start3A_56 = tpu.memref_slice %arg11[%mul3A_2, %dma_start3A_55] : memref<10240x128xf32, #tpu.memory_space<vmem_shared>> -> memref<640x128xf32, #tpu.memory_space<vmem_shared>>
      tpu.enqueue_dma source(%dma_start3A_56 : memref<640x128xf32, #tpu.memory_space<vmem_shared>>) target(%dma_start3A_54 : memref<640x128xf32, #tpu.memory_space<hbm>>) target_semaphore(%run_scoped3A : memref<!tpu.dma_semaphore, #tpu.memory_space<semaphore_mem>>)
      %dma_wait3A = arith.constant 0 : i32
      %dma_wait3A_57 = tpu.memref_slice %arg5[%add3A_5, %dma_wait3A] : memref<20480x128xf32, #tpu.memory_space<hbm>> -> memref<640x128xf32, #tpu.memory_space<hbm>>
      %dma_wait3A_58 = arith.constant 0 : i32
      %dma_wait3A_59 = tpu.memref_slice %arg11[%mul3A_2, %dma_wait3A_58] : memref<10240x128xf32, #tpu.memory_space<vmem_shared>> -> memref<640x128xf32, #tpu.memory_space<vmem_shared>>
      tpu.wait_dma2 semaphore(%run_scoped3A : memref<!tpu.dma_semaphore, #tpu.memory_space<semaphore_mem>>) src(%dma_wait3A_59 : memref<640x128xf32, #tpu.memory_space<vmem_shared>>) dst(%dma_wait3A_57 : memref<640x128xf32, #tpu.memory_space<hbm>>)
      tpu.yield
    }) : () -> ()
    %barrier3A_28 = arith.constant 0 : index
    tpu.barrier barrier_id(%barrier3A_28)
    %scan3A_29 = arith.constant 0 : i32
    %scan3A_30 = arith.constant 0 : i32
    %scan3A_31 = arith.constant 40 : i32
    %scan3A_32 = arith.addi %scan3A_30, %scan3A_31 : i32
    %scan3A_33 = arith.constant 1 : i32
    %scan3A_34 = scf.for %scan3A_54 = %scan3A_30 to %scan3A_32 step %scan3A_33 iter_args(%scan3A_55 = %scan3A_29) -> (i32)  : i32 {
      %mul3A_56 = arith.constant 16 : i32
      %mul3A_57 = arith.muli %scan3A_54, %mul3A_56 : i32
      %add3A_58 = arith.addi %mul3A_2, %mul3A_57 : i32
      "tpu.region"() ({
        %run_scoped3A = tpu.sem_alloc : memref<!tpu.dma_semaphore, #tpu.memory_space<semaphore_mem>>
        %dma_start3A = arith.constant 0 : i32
        %dma_start3A_60 = tpu.memref_slice %arg11[%add3A_58, %dma_start3A] : memref<10240x128xf32, #tpu.memory_space<vmem_shared>> -> memref<16x128xf32, #tpu.memory_space<vmem_shared>>
        %dma_start3A_61 = arith.constant 0 : i32
        %dma_start3A_62 = tpu.memref_slice %arg11[%add3A_58, %dma_start3A_61] : memref<10240x128xf32, #tpu.memory_space<vmem_shared>> -> memref<16x128xf32, #tpu.memory_space<vmem_shared>>
        tpu.enqueue_dma source(%arg10 : memref<16x128xf32, #tpu.memory_space<vmem>>) target(%dma_start3A_62 : memref<16x128xf32, #tpu.memory_space<vmem_shared>>) target_semaphore(%run_scoped3A : memref<!tpu.dma_semaphore, #tpu.memory_space<semaphore_mem>>)
        %dma_wait3A = arith.constant 0 : i32
        %dma_wait3A_63 = tpu.memref_slice %arg11[%add3A_58, %dma_wait3A] : memref<10240x128xf32, #tpu.memory_space<vmem_shared>> -> memref<16x128xf32, #tpu.memory_space<vmem_shared>>
        %dma_wait3A_64 = arith.constant 0 : i32
        %dma_wait3A_65 = tpu.memref_slice %arg11[%add3A_58, %dma_wait3A_64] : memref<10240x128xf32, #tpu.memory_space<vmem_shared>> -> memref<16x128xf32, #tpu.memory_space<vmem_shared>>
        tpu.wait_dma2 semaphore(%run_scoped3A : memref<!tpu.dma_semaphore, #tpu.memory_space<semaphore_mem>>) src(%arg10 : memref<16x128xf32, #tpu.memory_space<vmem>>) dst(%dma_wait3A_65 : memref<16x128xf32, #tpu.memory_space<vmem_shared>>)
        tpu.yield
      }) : () -> ()
      %scan3A_59 = arith.constant 0 : i32
      scf.yield %scan3A_59 : i32
    }
    %scan3A_35 = arith.constant 40 : i32
    %broadcast_in_dim3A_36 = arith.constant 1.000000e+00 : f32
    %broadcast_in_dim3A_37 = vector.broadcast %broadcast_in_dim3A_36 : f32 to vector<16xf32>
    %scan3A_38 = arith.constant 0 : i32
    %scan3A_39 = arith.constant 0 : i32
    %scan3A_40 = arith.constant 1024 : i32
    %scan3A_41 = arith.addi %scan3A_39, %scan3A_40 : i32
    %scan3A_42 = arith.constant 1 : i32
    %scan3A_43 = scf.for %scan3A_54 = %scan3A_39 to %scan3A_41 step %scan3A_42 iter_args(%scan3A_55 = %scan3A_38) -> (i32)  : i32 {
      %jit3A = arith.constant 8 : i32
      %div3A = arith.divsi %scan3A_54, %jit3A : i32
      %sign3A = arith.constant 0 : i32
      %sign3A_56 = arith.cmpi sgt, %scan3A_54, %sign3A : i32
      %sign3A_57 = arith.extui %sign3A_56 : i1 to i32
      %sign3A_58 = arith.constant 0 : i32
      %sign3A_59 = arith.cmpi slt, %scan3A_54, %sign3A_58 : i32
      %sign3A_60 = arith.extui %sign3A_59 : i1 to i32
      %sign3A_61 = arith.subi %sign3A_57, %sign3A_60 : i32
      %sign3A_62 = arith.constant 0 : i32
      %sign3A_63 = arith.cmpi sgt, %jit3A, %sign3A_62 : i32
      %sign3A_64 = arith.extui %sign3A_63 : i1 to i32
      %sign3A_65 = arith.constant 0 : i32
      %sign3A_66 = arith.cmpi slt, %jit3A, %sign3A_65 : i32
      %sign3A_67 = arith.extui %sign3A_66 : i1 to i32
      %sign3A_68 = arith.subi %sign3A_64, %sign3A_67 : i32
      %ne3A = arith.cmpi ne, %sign3A_61, %sign3A_68 : i32
      %rem3A = arith.remsi %scan3A_54, %jit3A : i32
      %ne3A_69 = arith.constant 0 : i32
      %ne3A_70 = arith.cmpi ne, %rem3A, %ne3A_69 : i32
      %and3A = arith.andi %ne3A, %ne3A_70 : i1
      %sub3A = arith.constant 1 : i32
      %sub3A_71 = arith.subi %div3A, %sub3A : i32
      %select_n3A = arith.select %and3A, %sub3A_71, %div3A : i32
      %jit3A_72 = arith.constant 8 : i32
      %eq3A = arith.constant 0 : i32
      %eq3A_73 = arith.cmpi eq, %jit3A_72, %eq3A : i32
      %jit3A_74 = arith.constant 1 : i32
      %select_n3A_75 = arith.select %eq3A_73, %jit3A_74, %jit3A_72 : i32
      %rem3A_76 = arith.remsi %scan3A_54, %select_n3A_75 : i32
      %ne3A_77 = arith.constant 0 : i32
      %ne3A_78 = arith.cmpi ne, %rem3A_76, %ne3A_77 : i32
      %lt3A = arith.constant 0 : i32
      %lt3A_79 = arith.cmpi slt, %rem3A_76, %lt3A : i32
      %lt3A_80 = arith.constant 0 : i32
      %lt3A_81 = arith.cmpi slt, %select_n3A_75, %lt3A_80 : i32
      %ne3A_82 = arith.xori %lt3A_79, %lt3A_81 : i1
      %and3A_83 = arith.andi %ne3A_82, %ne3A_78 : i1
      %add3A_84 = arith.addi %rem3A_76, %select_n3A_75 : i32
      %select_n3A_85 = arith.select %and3A_83, %add3A_84, %rem3A_76 : i32
      %mul3A_86 = arith.constant 16 : i32
      %mul3A_87 = arith.muli %select_n3A_85, %mul3A_86 : i32
      %swap3A = arith.index_cast %select_n3A : i32 to index
      %swap3A_88 = arith.index_cast %mul3A_87 : i32 to index
      %swap3A_89 = tpu.vector_load %arg9[%swap3A, %swap3A_88] {strides = array<i32>} : memref<128x128xf32, #tpu.memory_space<vmem>>, vector<1x16xf32>,
      %swap3A_90 = vector.shape_cast %swap3A_89 : vector<1x16xf32> to vector<16xf32>
      %swap3A_91 = vector.shape_cast %broadcast_in_dim3A_37 : vector<16xf32> to vector<1x16xf32>
      tpu.vector_store %arg9[%swap3A, %swap3A_88], %swap3A_91 {strides = array<i32>} : memref<128x128xf32, #tpu.memory_space<vmem>>, vector<1x16xf32>,
      %scan3A_92 = arith.constant 0 : i32
      scf.yield %scan3A_92 : i32
    }
    %scan3A_44 = arith.constant 1024 : i32
    %barrier3A_45 = arith.constant 0 : index
    tpu.barrier barrier_id(%barrier3A_45)
    %scan3A_46 = arith.constant 0 : i32
    %scan3A_47 = arith.constant 0 : i32
    %scan3A_48 = arith.constant 80 : i32
    %scan3A_49 = arith.addi %scan3A_47, %scan3A_48 : i32
    %scan3A_50 = arith.constant 1 : i32
    %scan3A_51 = scf.for %scan3A_54 = %scan3A_47 to %scan3A_49 step %scan3A_50 iter_args(%scan3A_55 = %scan3A_46) -> (i32)  : i32 {
      %mul3A_56 = arith.constant 80 : i32
      %mul3A_57 = arith.muli %add3A, %mul3A_56 : i32
      %add3A_58 = arith.addi %mul3A_57, %scan3A_54 : i32
      "tpu.region"() ({
        %run_scoped3A = tpu.sem_alloc : memref<!tpu.dma_semaphore, #tpu.memory_space<semaphore_mem>>
        %dma_start3A = arith.constant 0 : i32
        %dma_start3A_60 = tpu.memref_slice %arg4[%add3A_58, %dma_start3A] : memref<2560x128xi32, #tpu.memory_space<hbm>> -> memref<1x128xi32, #tpu.memory_space<hbm>>
        %dma_start3A_61 = tpu.memref_squeeze %dma_start3A_60 : memref<1x128xi32, #tpu.memory_space<hbm>> -> memref<128xi32, #tpu.memory_space<hbm>>
        %dma_start3A_62 = arith.constant 0 : i32
        %dma_start3A_63 = tpu.memref_slice %arg4[%add3A_58, %dma_start3A_62] : memref<2560x128xi32, #tpu.memory_space<hbm>> -> memref<1x128xi32, #tpu.memory_space<hbm>>
        %dma_start3A_64 = tpu.memref_squeeze %dma_start3A_63 : memref<1x128xi32, #tpu.memory_space<hbm>> -> memref<128xi32, #tpu.memory_space<hbm>>
        tpu.enqueue_dma source(%dma_start3A_64 : memref<128xi32, #tpu.memory_space<hbm>>) target(%arg8 : memref<128xi32, #tpu.memory_space<vmem>>) target_semaphore(%run_scoped3A : memref<!tpu.dma_semaphore, #tpu.memory_space<semaphore_mem>>)
        %dma_wait3A = arith.constant 0 : i32
        %dma_wait3A_65 = tpu.memref_slice %arg4[%add3A_58, %dma_wait3A] : memref<2560x128xi32, #tpu.memory_space<hbm>> -> memref<1x128xi32, #tpu.memory_space<hbm>>
        %dma_wait3A_66 = tpu.memref_squeeze %dma_wait3A_65 : memref<1x128xi32, #tpu.memory_space<hbm>> -> memref<128xi32, #tpu.memory_space<hbm>>
        %dma_wait3A_67 = arith.constant 0 : i32
        %dma_wait3A_68 = tpu.memref_slice %arg4[%add3A_58, %dma_wait3A_67] : memref<2560x128xi32, #tpu.memory_space<hbm>> -> memref<1x128xi32, #tpu.memory_space<hbm>>
        %dma_wait3A_69 = tpu.memref_squeeze %dma_wait3A_68 : memref<1x128xi32, #tpu.memory_space<hbm>> -> memref<128xi32, #tpu.memory_space<hbm>>
        tpu.wait_dma2 semaphore(%run_scoped3A : memref<!tpu.dma_semaphore, #tpu.memory_space<semaphore_mem>>) src(%dma_wait3A_69 : memref<128xi32, #tpu.memory_space<hbm>>) dst(%arg8 : memref<128xi32, #tpu.memory_space<vmem>>)
        tpu.yield
      }) : () -> ()
      "tpu.region"() ({
        %run_scoped3A = tpu.sem_alloc : memref<!tpu.dma_semaphore, #tpu.memory_space<semaphore_mem>>
        %dma_start3A = arith.constant 0 : i32
        %dma_start3A_60 = arith.constant 0 : i32
        %dma_start3A_61 = tpu.memref_slice %arg11[%dma_start3A, %dma_start3A_60] : memref<10240x128xf32, #tpu.memory_space<vmem_shared>> -> memref<10240x128xf32, #tpu.memory_space<vmem_shared>>
        tpu.enqueue_indirect_dma source(%arg9 : memref<128x128xf32, #tpu.memory_space<vmem>>) target(%dma_start3A_61 : memref<10240x128xf32, #tpu.memory_space<vmem_shared>>) offsets(%arg8 : memref<128xi32, #tpu.memory_space<vmem>>) semaphore(%run_scoped3A : memref<!tpu.dma_semaphore, #tpu.memory_space<semaphore_mem>>) {add = true}
        %dma_wait3A = arith.constant 0 : i32
        %dma_wait3A_62 = arith.constant 0 : i32
        %dma_wait3A_63 = tpu.memref_slice %arg11[%dma_wait3A, %dma_wait3A_62] : memref<10240x128xf32, #tpu.memory_space<vmem_shared>> -> memref<10240x128xf32, #tpu.memory_space<vmem_shared>>
        tpu.wait_indirect_dma semaphore(%run_scoped3A : memref<!tpu.dma_semaphore, #tpu.memory_space<semaphore_mem>>) src(%arg9 : memref<128x128xf32, #tpu.memory_space<vmem>>) dst(%dma_wait3A_63 : memref<10240x128xf32, #tpu.memory_space<vmem_shared>>)
        tpu.yield
      }) : () -> ()
      %scan3A_59 = arith.constant 0 : i32
      scf.yield %scan3A_59 : i32
    }
    %scan3A_52 = arith.constant 80 : i32
    %barrier3A_53 = arith.constant 0 : index
    tpu.barrier barrier_id(%barrier3A_53)
    "tpu.region"() ({
      %run_scoped3A = tpu.sem_alloc : memref<!tpu.dma_semaphore, #tpu.memory_space<semaphore_mem>>
      %dma_start3A = arith.constant 0 : i32
      %dma_start3A_54 = tpu.memref_slice %arg6[%add3A_5, %dma_start3A] : memref<20480x128xf32, #tpu.memory_space<hbm>> -> memref<640x128xf32, #tpu.memory_space<hbm>>
      %dma_start3A_55 = arith.constant 0 : i32
      %dma_start3A_56 = tpu.memref_slice %arg11[%mul3A_2, %dma_start3A_55] : memref<10240x128xf32, #tpu.memory_space<vmem_shared>> -> memref<640x128xf32, #tpu.memory_space<vmem_shared>>
      tpu.enqueue_dma source(%dma_start3A_56 : memref<640x128xf32, #tpu.memory_space<vmem_shared>>) target(%dma_start3A_54 : memref<640x128xf32, #tpu.memory_space<hbm>>) target_semaphore(%run_scoped3A : memref<!tpu.dma_semaphore, #tpu.memory_space<semaphore_mem>>)
      %dma_wait3A = arith.constant 0 : i32
      %dma_wait3A_57 = tpu.memref_slice %arg6[%add3A_5, %dma_wait3A] : memref<20480x128xf32, #tpu.memory_space<hbm>> -> memref<640x128xf32, #tpu.memory_space<hbm>>
      %dma_wait3A_58 = arith.constant 0 : i32
      %dma_wait3A_59 = tpu.memref_slice %arg11[%mul3A_2, %dma_wait3A_58] : memref<10240x128xf32, #tpu.memory_space<vmem_shared>> -> memref<640x128xf32, #tpu.memory_space<vmem_shared>>
      tpu.wait_dma2 semaphore(%run_scoped3A : memref<!tpu.dma_semaphore, #tpu.memory_space<semaphore_mem>>) src(%dma_wait3A_59 : memref<640x128xf32, #tpu.memory_space<vmem_shared>>) dst(%dma_wait3A_57 : memref<640x128xf32, #tpu.memory_space<hbm>>)
      tpu.yield
    }) : () -> ()
    return
  }
}

#map = affine_map<(d0, d1) -> (0, 0)>
module attributes {stable_mosaic.version = 14 : i64} {
  func.func @_sc_agg_body(%arg0: i32, %arg1: i32, %arg2: memref<10240x128xf32, #tpu.memory_space<hbm>>, %arg3: memref<2560x128xi32, #tpu.memory_space<hbm>>, %arg4: memref<2560x128xi32, #tpu.memory_space<hbm>>, %arg5: memref<20480x128xf32, #tpu.memory_space<hbm>>, %arg6: memref<128xi32, #tpu.memory_space<vmem>>, %arg7: memref<128xi32, #tpu.memory_space<vmem>>, %arg8: memref<128x128xf32, #tpu.memory_space<vmem>>, %arg9: memref<16x128xf32, #tpu.memory_space<vmem>>, %arg10: memref<10240x128xf32, #tpu.memory_space<vmem_shared>>, %arg11: memref<!tpu.dma_semaphore, #tpu.memory_space<semaphore_mem>>) attributes {dimension_semantics = [#tpu.dimension_semantics<core_parallel>, #tpu.dimension_semantics<subcore_parallel>], iteration_bounds = array<i64: 2, 16>, scalar_prefetch = 0 : i64, scratch_operands = 6 : i64, tpu.core_type = #tpu.core_type<sc_vector_subcore>, window_params = [{transform_indices = #map}, {transform_indices = #map}, {transform_indices = #map}, {transform_indices = #map}]} {
    %mul3A = arith.constant 16 : i32
    %mul3A_0 = arith.muli %arg0, %mul3A : i32
    %add3A = arith.addi %mul3A_0, %arg1 : i32
    %mul3A_1 = arith.constant 640 : i32
    %mul3A_2 = arith.muli %arg1, %mul3A_1 : i32
    %mul3A_3 = arith.constant 10240 : i32
    %mul3A_4 = arith.muli %arg0, %mul3A_3 : i32
    %add3A_5 = arith.addi %mul3A_4, %mul3A_2 : i32
    %broadcast_in_dim3A = arith.constant 0.000000e+00 : f32
    %broadcast_in_dim3A_6 = vector.broadcast %broadcast_in_dim3A : f32 to vector<16xf32>
    %scan3A = arith.constant 0 : i32
    %scan3A_7 = arith.constant 0 : i32
    %scan3A_8 = arith.constant 128 : i32
    %scan3A_9 = arith.addi %scan3A_7, %scan3A_8 : i32
    %scan3A_10 = arith.constant 1 : i32
    %scan3A_11 = scf.for %scan3A_28 = %scan3A_7 to %scan3A_9 step %scan3A_10 iter_args(%scan3A_29 = %scan3A) -> (i32)  : i32 {
      %jit3A = arith.constant 8 : i32
      %div3A = arith.divsi %scan3A_28, %jit3A : i32
      %sign3A = arith.constant 0 : i32
      %sign3A_30 = arith.cmpi sgt, %scan3A_28, %sign3A : i32
      %sign3A_31 = arith.extui %sign3A_30 : i1 to i32
      %sign3A_32 = arith.constant 0 : i32
      %sign3A_33 = arith.cmpi slt, %scan3A_28, %sign3A_32 : i32
      %sign3A_34 = arith.extui %sign3A_33 : i1 to i32
      %sign3A_35 = arith.subi %sign3A_31, %sign3A_34 : i32
      %sign3A_36 = arith.constant 0 : i32
      %sign3A_37 = arith.cmpi sgt, %jit3A, %sign3A_36 : i32
      %sign3A_38 = arith.extui %sign3A_37 : i1 to i32
      %sign3A_39 = arith.constant 0 : i32
      %sign3A_40 = arith.cmpi slt, %jit3A, %sign3A_39 : i32
      %sign3A_41 = arith.extui %sign3A_40 : i1 to i32
      %sign3A_42 = arith.subi %sign3A_38, %sign3A_41 : i32
      %ne3A = arith.cmpi ne, %sign3A_35, %sign3A_42 : i32
      %rem3A = arith.remsi %scan3A_28, %jit3A : i32
      %ne3A_43 = arith.constant 0 : i32
      %ne3A_44 = arith.cmpi ne, %rem3A, %ne3A_43 : i32
      %and3A = arith.andi %ne3A, %ne3A_44 : i1
      %sub3A = arith.constant 1 : i32
      %sub3A_45 = arith.subi %div3A, %sub3A : i32
      %select_n3A = arith.select %and3A, %sub3A_45, %div3A : i32
      %jit3A_46 = arith.constant 8 : i32
      %eq3A = arith.constant 0 : i32
      %eq3A_47 = arith.cmpi eq, %jit3A_46, %eq3A : i32
      %jit3A_48 = arith.constant 1 : i32
      %select_n3A_49 = arith.select %eq3A_47, %jit3A_48, %jit3A_46 : i32
      %rem3A_50 = arith.remsi %scan3A_28, %select_n3A_49 : i32
      %ne3A_51 = arith.constant 0 : i32
      %ne3A_52 = arith.cmpi ne, %rem3A_50, %ne3A_51 : i32
      %lt3A = arith.constant 0 : i32
      %lt3A_53 = arith.cmpi slt, %rem3A_50, %lt3A : i32
      %lt3A_54 = arith.constant 0 : i32
      %lt3A_55 = arith.cmpi slt, %select_n3A_49, %lt3A_54 : i32
      %ne3A_56 = arith.xori %lt3A_53, %lt3A_55 : i1
      %and3A_57 = arith.andi %ne3A_56, %ne3A_52 : i1
      %add3A_58 = arith.addi %rem3A_50, %select_n3A_49 : i32
      %select_n3A_59 = arith.select %and3A_57, %add3A_58, %rem3A_50 : i32
      %mul3A_60 = arith.constant 16 : i32
      %mul3A_61 = arith.muli %select_n3A_59, %mul3A_60 : i32
      %swap3A = arith.index_cast %select_n3A : i32 to index
      %swap3A_62 = arith.index_cast %mul3A_61 : i32 to index
      %swap3A_63 = tpu.vector_load %arg9[%swap3A, %swap3A_62] {strides = array<i32>} : memref<16x128xf32, #tpu.memory_space<vmem>>, vector<1x16xf32>,
      %swap3A_64 = vector.shape_cast %swap3A_63 : vector<1x16xf32> to vector<16xf32>
      %swap3A_65 = vector.shape_cast %broadcast_in_dim3A_6 : vector<16xf32> to vector<1x16xf32>
      tpu.vector_store %arg9[%swap3A, %swap3A_62], %swap3A_65 {strides = array<i32>} : memref<16x128xf32, #tpu.memory_space<vmem>>, vector<1x16xf32>,
      %scan3A_66 = arith.constant 0 : i32
      scf.yield %scan3A_66 : i32
    }
    %scan3A_12 = arith.constant 128 : i32
    %scan3A_13 = arith.constant 0 : i32
    %scan3A_14 = arith.constant 0 : i32
    %scan3A_15 = arith.constant 40 : i32
    %scan3A_16 = arith.addi %scan3A_14, %scan3A_15 : i32
    %scan3A_17 = arith.constant 1 : i32
    %scan3A_18 = scf.for %scan3A_28 = %scan3A_14 to %scan3A_16 step %scan3A_17 iter_args(%scan3A_29 = %scan3A_13) -> (i32)  : i32 {
      %mul3A_30 = arith.constant 16 : i32
      %mul3A_31 = arith.muli %scan3A_28, %mul3A_30 : i32
      %add3A_32 = arith.addi %mul3A_2, %mul3A_31 : i32
      "tpu.region"() ({
        %run_scoped3A = tpu.sem_alloc : memref<!tpu.dma_semaphore, #tpu.memory_space<semaphore_mem>>
        %dma_start3A = arith.constant 0 : i32
        %dma_start3A_34 = tpu.memref_slice %arg10[%add3A_32, %dma_start3A] : memref<10240x128xf32, #tpu.memory_space<vmem_shared>> -> memref<16x128xf32, #tpu.memory_space<vmem_shared>>
        %dma_start3A_35 = arith.constant 0 : i32
        %dma_start3A_36 = tpu.memref_slice %arg10[%add3A_32, %dma_start3A_35] : memref<10240x128xf32, #tpu.memory_space<vmem_shared>> -> memref<16x128xf32, #tpu.memory_space<vmem_shared>>
        tpu.enqueue_dma source(%arg9 : memref<16x128xf32, #tpu.memory_space<vmem>>) target(%dma_start3A_36 : memref<16x128xf32, #tpu.memory_space<vmem_shared>>) target_semaphore(%run_scoped3A : memref<!tpu.dma_semaphore, #tpu.memory_space<semaphore_mem>>)
        %dma_wait3A = arith.constant 0 : i32
        %dma_wait3A_37 = tpu.memref_slice %arg10[%add3A_32, %dma_wait3A] : memref<10240x128xf32, #tpu.memory_space<vmem_shared>> -> memref<16x128xf32, #tpu.memory_space<vmem_shared>>
        %dma_wait3A_38 = arith.constant 0 : i32
        %dma_wait3A_39 = tpu.memref_slice %arg10[%add3A_32, %dma_wait3A_38] : memref<10240x128xf32, #tpu.memory_space<vmem_shared>> -> memref<16x128xf32, #tpu.memory_space<vmem_shared>>
        tpu.wait_dma2 semaphore(%run_scoped3A : memref<!tpu.dma_semaphore, #tpu.memory_space<semaphore_mem>>) src(%arg9 : memref<16x128xf32, #tpu.memory_space<vmem>>) dst(%dma_wait3A_39 : memref<16x128xf32, #tpu.memory_space<vmem_shared>>)
        tpu.yield
      }) : () -> ()
      %scan3A_33 = arith.constant 0 : i32
      scf.yield %scan3A_33 : i32
    }
    %scan3A_19 = arith.constant 40 : i32
    %barrier3A = arith.constant 0 : index
    tpu.barrier barrier_id(%barrier3A)
    %scan3A_20 = arith.constant 0 : i32
    %scan3A_21 = arith.constant 0 : i32
    %scan3A_22 = arith.constant 80 : i32
    %scan3A_23 = arith.addi %scan3A_21, %scan3A_22 : i32
    %scan3A_24 = arith.constant 1 : i32
    %scan3A_25 = scf.for %scan3A_28 = %scan3A_21 to %scan3A_23 step %scan3A_24 iter_args(%scan3A_29 = %scan3A_20) -> (i32)  : i32 {
      %mul3A_30 = arith.constant 80 : i32
      %mul3A_31 = arith.muli %add3A, %mul3A_30 : i32
      %add3A_32 = arith.addi %mul3A_31, %scan3A_28 : i32
      "tpu.region"() ({
        %run_scoped3A = tpu.sem_alloc : memref<!tpu.dma_semaphore, #tpu.memory_space<semaphore_mem>>
        %dma_start3A_38 = arith.constant 0 : i32
        %dma_start3A_39 = tpu.memref_slice %arg3[%add3A_32, %dma_start3A_38] : memref<2560x128xi32, #tpu.memory_space<hbm>> -> memref<1x128xi32, #tpu.memory_space<hbm>>
        %dma_start3A_40 = tpu.memref_squeeze %dma_start3A_39 : memref<1x128xi32, #tpu.memory_space<hbm>> -> memref<128xi32, #tpu.memory_space<hbm>>
        %dma_start3A_41 = arith.constant 0 : i32
        %dma_start3A_42 = tpu.memref_slice %arg3[%add3A_32, %dma_start3A_41] : memref<2560x128xi32, #tpu.memory_space<hbm>> -> memref<1x128xi32, #tpu.memory_space<hbm>>
        %dma_start3A_43 = tpu.memref_squeeze %dma_start3A_42 : memref<1x128xi32, #tpu.memory_space<hbm>> -> memref<128xi32, #tpu.memory_space<hbm>>
        tpu.enqueue_dma source(%dma_start3A_43 : memref<128xi32, #tpu.memory_space<hbm>>) target(%arg6 : memref<128xi32, #tpu.memory_space<vmem>>) target_semaphore(%run_scoped3A : memref<!tpu.dma_semaphore, #tpu.memory_space<semaphore_mem>>)
        %dma_wait3A_44 = arith.constant 0 : i32
        %dma_wait3A_45 = tpu.memref_slice %arg3[%add3A_32, %dma_wait3A_44] : memref<2560x128xi32, #tpu.memory_space<hbm>> -> memref<1x128xi32, #tpu.memory_space<hbm>>
        %dma_wait3A_46 = tpu.memref_squeeze %dma_wait3A_45 : memref<1x128xi32, #tpu.memory_space<hbm>> -> memref<128xi32, #tpu.memory_space<hbm>>
        %dma_wait3A_47 = arith.constant 0 : i32
        %dma_wait3A_48 = tpu.memref_slice %arg3[%add3A_32, %dma_wait3A_47] : memref<2560x128xi32, #tpu.memory_space<hbm>> -> memref<1x128xi32, #tpu.memory_space<hbm>>
        %dma_wait3A_49 = tpu.memref_squeeze %dma_wait3A_48 : memref<1x128xi32, #tpu.memory_space<hbm>> -> memref<128xi32, #tpu.memory_space<hbm>>
        tpu.wait_dma2 semaphore(%run_scoped3A : memref<!tpu.dma_semaphore, #tpu.memory_space<semaphore_mem>>) src(%dma_wait3A_49 : memref<128xi32, #tpu.memory_space<hbm>>) dst(%arg6 : memref<128xi32, #tpu.memory_space<vmem>>)
        tpu.yield
      }) : () -> ()
      "tpu.region"() ({
        %run_scoped3A = tpu.sem_alloc : memref<!tpu.dma_semaphore, #tpu.memory_space<semaphore_mem>>
        %dma_start3A_38 = arith.constant 0 : i32
        %dma_start3A_39 = tpu.memref_slice %arg4[%add3A_32, %dma_start3A_38] : memref<2560x128xi32, #tpu.memory_space<hbm>> -> memref<1x128xi32, #tpu.memory_space<hbm>>
        %dma_start3A_40 = tpu.memref_squeeze %dma_start3A_39 : memref<1x128xi32, #tpu.memory_space<hbm>> -> memref<128xi32, #tpu.memory_space<hbm>>
        %dma_start3A_41 = arith.constant 0 : i32
        %dma_start3A_42 = tpu.memref_slice %arg4[%add3A_32, %dma_start3A_41] : memref<2560x128xi32, #tpu.memory_space<hbm>> -> memref<1x128xi32, #tpu.memory_space<hbm>>
        %dma_start3A_43 = tpu.memref_squeeze %dma_start3A_42 : memref<1x128xi32, #tpu.memory_space<hbm>> -> memref<128xi32, #tpu.memory_space<hbm>>
        tpu.enqueue_dma source(%dma_start3A_43 : memref<128xi32, #tpu.memory_space<hbm>>) target(%arg7 : memref<128xi32, #tpu.memory_space<vmem>>) target_semaphore(%run_scoped3A : memref<!tpu.dma_semaphore, #tpu.memory_space<semaphore_mem>>)
        %dma_wait3A_44 = arith.constant 0 : i32
        %dma_wait3A_45 = tpu.memref_slice %arg4[%add3A_32, %dma_wait3A_44] : memref<2560x128xi32, #tpu.memory_space<hbm>> -> memref<1x128xi32, #tpu.memory_space<hbm>>
        %dma_wait3A_46 = tpu.memref_squeeze %dma_wait3A_45 : memref<1x128xi32, #tpu.memory_space<hbm>> -> memref<128xi32, #tpu.memory_space<hbm>>
        %dma_wait3A_47 = arith.constant 0 : i32
        %dma_wait3A_48 = tpu.memref_slice %arg4[%add3A_32, %dma_wait3A_47] : memref<2560x128xi32, #tpu.memory_space<hbm>> -> memref<1x128xi32, #tpu.memory_space<hbm>>
        %dma_wait3A_49 = tpu.memref_squeeze %dma_wait3A_48 : memref<1x128xi32, #tpu.memory_space<hbm>> -> memref<128xi32, #tpu.memory_space<hbm>>
        tpu.wait_dma2 semaphore(%run_scoped3A : memref<!tpu.dma_semaphore, #tpu.memory_space<semaphore_mem>>) src(%dma_wait3A_49 : memref<128xi32, #tpu.memory_space<hbm>>) dst(%arg7 : memref<128xi32, #tpu.memory_space<vmem>>)
        tpu.yield
      }) : () -> ()
      %dma_start3A = arith.constant 0 : i32
      %dma_start3A_33 = arith.constant 0 : i32
      %dma_start3A_34 = tpu.memref_slice %arg2[%dma_start3A, %dma_start3A_33] : memref<10240x128xf32, #tpu.memory_space<hbm>> -> memref<10240x128xf32, #tpu.memory_space<hbm>>
      tpu.enqueue_indirect_dma source(%dma_start3A_34 : memref<10240x128xf32, #tpu.memory_space<hbm>>) target(%arg8 : memref<128x128xf32, #tpu.memory_space<vmem>>) offsets(%arg6 : memref<128xi32, #tpu.memory_space<vmem>>) semaphore(%arg11 : memref<!tpu.dma_semaphore, #tpu.memory_space<semaphore_mem>>)
      %dma_wait3A = arith.constant 0 : i32
      %dma_wait3A_35 = arith.constant 0 : i32
      %dma_wait3A_36 = tpu.memref_slice %arg2[%dma_wait3A, %dma_wait3A_35] : memref<10240x128xf32, #tpu.memory_space<hbm>> -> memref<10240x128xf32, #tpu.memory_space<hbm>>
      tpu.wait_indirect_dma semaphore(%arg11 : memref<!tpu.dma_semaphore, #tpu.memory_space<semaphore_mem>>) src(%dma_wait3A_36 : memref<10240x128xf32, #tpu.memory_space<hbm>>) dst(%arg8 : memref<128x128xf32, #tpu.memory_space<vmem>>)
      "tpu.region"() ({
        %run_scoped3A = tpu.sem_alloc : memref<!tpu.dma_semaphore, #tpu.memory_space<semaphore_mem>>
        %dma_start3A_38 = arith.constant 0 : i32
        %dma_start3A_39 = arith.constant 0 : i32
        %dma_start3A_40 = tpu.memref_slice %arg10[%dma_start3A_38, %dma_start3A_39] : memref<10240x128xf32, #tpu.memory_space<vmem_shared>> -> memref<10240x128xf32, #tpu.memory_space<vmem_shared>>
        tpu.enqueue_indirect_dma source(%arg8 : memref<128x128xf32, #tpu.memory_space<vmem>>) target(%dma_start3A_40 : memref<10240x128xf32, #tpu.memory_space<vmem_shared>>) offsets(%arg7 : memref<128xi32, #tpu.memory_space<vmem>>) semaphore(%run_scoped3A : memref<!tpu.dma_semaphore, #tpu.memory_space<semaphore_mem>>) {add = true}
        %dma_wait3A_41 = arith.constant 0 : i32
        %dma_wait3A_42 = arith.constant 0 : i32
        %dma_wait3A_43 = tpu.memref_slice %arg10[%dma_wait3A_41, %dma_wait3A_42] : memref<10240x128xf32, #tpu.memory_space<vmem_shared>> -> memref<10240x128xf32, #tpu.memory_space<vmem_shared>>
        tpu.wait_indirect_dma semaphore(%run_scoped3A : memref<!tpu.dma_semaphore, #tpu.memory_space<semaphore_mem>>) src(%arg8 : memref<128x128xf32, #tpu.memory_space<vmem>>) dst(%dma_wait3A_43 : memref<10240x128xf32, #tpu.memory_space<vmem_shared>>)
        tpu.yield
      }) : () -> ()
      %scan3A_37 = arith.constant 0 : i32
      scf.yield %scan3A_37 : i32
    }
    %scan3A_26 = arith.constant 80 : i32
    %barrier3A_27 = arith.constant 0 : index
    tpu.barrier barrier_id(%barrier3A_27)
    "tpu.region"() ({
      %run_scoped3A = tpu.sem_alloc : memref<!tpu.dma_semaphore, #tpu.memory_space<semaphore_mem>>
      %dma_start3A = arith.constant 0 : i32
      %dma_start3A_28 = tpu.memref_slice %arg5[%add3A_5, %dma_start3A] : memref<20480x128xf32, #tpu.memory_space<hbm>> -> memref<640x128xf32, #tpu.memory_space<hbm>>
      %dma_start3A_29 = arith.constant 0 : i32
      %dma_start3A_30 = tpu.memref_slice %arg10[%mul3A_2, %dma_start3A_29] : memref<10240x128xf32, #tpu.memory_space<vmem_shared>> -> memref<640x128xf32, #tpu.memory_space<vmem_shared>>
      tpu.enqueue_dma source(%dma_start3A_30 : memref<640x128xf32, #tpu.memory_space<vmem_shared>>) target(%dma_start3A_28 : memref<640x128xf32, #tpu.memory_space<hbm>>) target_semaphore(%run_scoped3A : memref<!tpu.dma_semaphore, #tpu.memory_space<semaphore_mem>>)
      %dma_wait3A = arith.constant 0 : i32
      %dma_wait3A_31 = tpu.memref_slice %arg5[%add3A_5, %dma_wait3A] : memref<20480x128xf32, #tpu.memory_space<hbm>> -> memref<640x128xf32, #tpu.memory_space<hbm>>
      %dma_wait3A_32 = arith.constant 0 : i32
      %dma_wait3A_33 = tpu.memref_slice %arg10[%mul3A_2, %dma_wait3A_32] : memref<10240x128xf32, #tpu.memory_space<vmem_shared>> -> memref<640x128xf32, #tpu.memory_space<vmem_shared>>
      tpu.wait_dma2 semaphore(%run_scoped3A : memref<!tpu.dma_semaphore, #tpu.memory_space<semaphore_mem>>) src(%dma_wait3A_33 : memref<640x128xf32, #tpu.memory_space<vmem_shared>>) dst(%dma_wait3A_31 : memref<640x128xf32, #tpu.memory_space<hbm>>)
      tpu.yield
    }) : () -> ()
    return
  }
}

module attributes {stable_mosaic.version = 14 : i64} {
  func.func @_h1_body(%arg0: i32, %arg1: memref<2x256x128xf32, #tpu.memory_space<vmem>>, %arg2: memref<2x256x128xf32, #tpu.memory_space<vmem>>, %arg3: memref<256x128xf32, #tpu.memory_space<vmem>>, %arg4: memref<128x128xf32, #tpu.memory_space<vmem>>, %arg5: memref<128x128xf32, #tpu.memory_space<vmem>>, %arg6: memref<1x128xf32, #tpu.memory_space<vmem>>, %arg7: memref<256x128xf32, #tpu.memory_space<vmem>>) attributes {dimension_semantics = [#tpu.dimension_semantics<arbitrary>], iteration_bounds = array<i64: 40>, scalar_prefetch = 0 : i64, scratch_operands = 0 : i64, tpu.core_type = #tpu.core_type<tc>, window_params = [{transform_indices = @transform_0, window_bounds = array<i64: 2, 256, 128>}, {transform_indices = @transform_1, window_bounds = array<i64: 2, 256, 128>}, {transform_indices = @transform_2, window_bounds = array<i64: 256, 128>}, {pipeline_mode = #tpu.pipeline_mode<synchronous>, transform_indices = @transform_3, window_bounds = array<i64: 128, 128>}, {pipeline_mode = #tpu.pipeline_mode<synchronous>, transform_indices = @transform_4, window_bounds = array<i64: 128, 128>}, {pipeline_mode = #tpu.pipeline_mode<synchronous>, transform_indices = @transform_5, window_bounds = array<i64: 1, 128>}, {transform_indices = @transform_6, window_bounds = array<i64: 256, 128>}]} {
    %get3A = arith.constant 0 : index
    %get3A_0 = arith.constant 0 : index
    %get3A_1 = arith.constant 0 : index
    %get3A_2 = vector.load %arg1[%get3A, %get3A_0, %get3A_1] : memref<2x256x128xf32, #tpu.memory_space<vmem>>, vector<1x256x128xf32>
    %get3A_3 = vector.shape_cast %get3A_2 : vector<1x256x128xf32> to vector<256x128xf32>
    %get3A_4 = arith.constant 1 : index
    %get3A_5 = arith.constant 0 : index
    %get3A_6 = arith.constant 0 : index
    %get3A_7 = vector.load %arg1[%get3A_4, %get3A_5, %get3A_6] : memref<2x256x128xf32, #tpu.memory_space<vmem>>, vector<1x256x128xf32>
    %get3A_8 = vector.shape_cast %get3A_7 : vector<1x256x128xf32> to vector<256x128xf32>
    %add3A = arith.addf %get3A_3, %get3A_8 : vector<256x128xf32>
    %get3A_9 = arith.constant 0 : index
    %get3A_10 = arith.constant 0 : index
    %get3A_11 = arith.constant 0 : index
    %get3A_12 = vector.load %arg2[%get3A_9, %get3A_10, %get3A_11] : memref<2x256x128xf32, #tpu.memory_space<vmem>>, vector<1x256x1xf32>
    %get3A_13 = vector.shape_cast %get3A_12 : vector<1x256x1xf32> to vector<256x1xf32>
    %get3A_14 = arith.constant 1 : index
    %get3A_15 = arith.constant 0 : index
    %get3A_16 = arith.constant 0 : index
    %get3A_17 = vector.load %arg2[%get3A_14, %get3A_15, %get3A_16] : memref<2x256x128xf32, #tpu.memory_space<vmem>>, vector<1x256x1xf32>
    %get3A_18 = vector.shape_cast %get3A_17 : vector<1x256x1xf32> to vector<256x1xf32>
    %add3A_19 = arith.addf %get3A_13, %get3A_18 : vector<256x1xf32>
    %max3A = arith.constant 1.000000e+00 : f32
    %max3A_20 = vector.broadcast %max3A : f32 to vector<256x1xf32>
    %max3A_21 = arith.maximumf %add3A_19, %max3A_20 : vector<256x1xf32>
    %div3A = vector.broadcast %max3A_21 : vector<256x1xf32> to vector<256x128xf32>
    %div3A_22 = arith.divf %add3A, %div3A : vector<256x128xf32>
    %get3A_23 = arith.constant 0 : index
    %get3A_24 = arith.constant 0 : index
    %get3A_25 = vector.load %arg4[%get3A_23, %get3A_24] : memref<128x128xf32, #tpu.memory_space<vmem>>, vector<128x128xf32>
    %dot_general3A = arith.constant dense<0.000000e+00> : vector<256x128xf32>
    %dot_general3A_26 = tpu.matmul %div3A_22, %get3A_25, %dot_general3A {dimension_numbers = #tpu.dot_dimension_numbers<[1], [0], [0], [1], [0, 0, 1, 1], [], []>, precision = #tpu.contract_precision<fp32>, transpose_lhs_hint = false} : vector<256x128xf32>, vector<128x128xf32>, vector<256x128xf32> -> vector<256x128xf32>
    %get3A_27 = arith.constant 0 : index
    %get3A_28 = arith.constant 0 : index
    %get3A_29 = vector.load %arg3[%get3A_27, %get3A_28] : memref<256x128xf32, #tpu.memory_space<vmem>>, vector<256x128xf32>
    %get3A_30 = arith.constant 0 : index
    %get3A_31 = arith.constant 0 : index
    %get3A_32 = vector.load %arg5[%get3A_30, %get3A_31] : memref<128x128xf32, #tpu.memory_space<vmem>>, vector<128x128xf32>
    %dot_general3A_33 = arith.constant dense<0.000000e+00> : vector<256x128xf32>
    %dot_general3A_34 = tpu.matmul %get3A_29, %get3A_32, %dot_general3A_33 {dimension_numbers = #tpu.dot_dimension_numbers<[1], [0], [0], [1], [0, 0, 1, 1], [], []>, precision = #tpu.contract_precision<fp32>, transpose_lhs_hint = false} : vector<256x128xf32>, vector<128x128xf32>, vector<256x128xf32> -> vector<256x128xf32>
    %add3A_35 = arith.addf %dot_general3A_26, %dot_general3A_34 : vector<256x128xf32>
    %get3A_36 = arith.constant 0 : index
    %get3A_37 = arith.constant 0 : index
    %get3A_38 = vector.load %arg6[%get3A_36, %get3A_37] : memref<1x128xf32, #tpu.memory_space<vmem>>, vector<1x128xf32>
    %add3A_39 = vector.broadcast %get3A_38 : vector<1x128xf32> to vector<256x128xf32>
    %add3A_40 = arith.addf %add3A_35, %add3A_39 : vector<256x128xf32>
    %max3A_41 = arith.constant 0.000000e+00 : f32
    %max3A_42 = vector.broadcast %max3A_41 : f32 to vector<256x128xf32>
    %max3A_43 = arith.maximumf %add3A_40, %max3A_42 : vector<256x128xf32>
    %swap3A = arith.constant 0 : index
    %swap3A_44 = arith.constant 0 : index
    %swap3A_45 = vector.load %arg7[%swap3A, %swap3A_44] : memref<256x128xf32, #tpu.memory_space<vmem>>, vector<256x128xf32>
    tpu.vector_store %arg7[%swap3A, %swap3A_44], %max3A_43 {strides = array<i32>} : memref<256x128xf32, #tpu.memory_space<vmem>>, vector<256x128xf32>,
    return
  }
  func.func @transform_0(%arg0: i32) -> (i32, i32, i32) {
    %c0_i32 = arith.constant 0 : i32
    %c0_i32_0 = arith.constant 0 : i32
    %c0_i32_1 = arith.constant 0 : i32
    return %c0_i32, %arg0, %c0_i32_0 : i32, i32, i32
  }
  func.func @transform_1(%arg0: i32) -> (i32, i32, i32) {
    %c0_i32 = arith.constant 0 : i32
    %c0_i32_0 = arith.constant 0 : i32
    %c0_i32_1 = arith.constant 0 : i32
    return %c0_i32, %arg0, %c0_i32_0 : i32, i32, i32
  }
  func.func @transform_2(%arg0: i32) -> (i32, i32) {
    %c0_i32 = arith.constant 0 : i32
    %c0_i32_0 = arith.constant 0 : i32
    return %arg0, %c0_i32 : i32, i32
  }
  func.func @transform_3(%arg0: i32) -> (i32, i32) {
    %c0_i32 = arith.constant 0 : i32
    %c0_i32_0 = arith.constant 0 : i32
    %c0_i32_1 = arith.constant 0 : i32
    return %c0_i32, %c0_i32_0 : i32, i32
  }
  func.func @transform_4(%arg0: i32) -> (i32, i32) {
    %c0_i32 = arith.constant 0 : i32
    %c0_i32_0 = arith.constant 0 : i32
    %c0_i32_1 = arith.constant 0 : i32
    return %c0_i32, %c0_i32_0 : i32, i32
  }
  func.func @transform_5(%arg0: i32) -> (i32, i32) {
    %c0_i32 = arith.constant 0 : i32
    %c0_i32_0 = arith.constant 0 : i32
    %c0_i32_1 = arith.constant 0 : i32
    return %c0_i32, %c0_i32_0 : i32, i32
  }
  func.func @transform_6(%arg0: i32) -> (i32, i32) {
    %c0_i32 = arith.constant 0 : i32
    %c0_i32_0 = arith.constant 0 : i32
    return %arg0, %c0_i32 : i32, i32
  }
}

module attributes {stable_mosaic.version = 14 : i64} {
  func.func @_final_body(%arg0: i32, %arg1: memref<2x256x128xf32, #tpu.memory_space<vmem>>, %arg2: memref<2x256x128xf32, #tpu.memory_space<vmem>>, %arg3: memref<256x128xf32, #tpu.memory_space<vmem>>, %arg4: memref<256x1xf32, #tpu.memory_space<vmem>>, %arg5: memref<256x1xi32, #tpu.memory_space<vmem>>, %arg6: memref<1x256xi32, #tpu.memory_space<vmem>>, %arg7: memref<128x128xf32, #tpu.memory_space<vmem>>, %arg8: memref<128x128xf32, #tpu.memory_space<vmem>>, %arg9: memref<1x128xf32, #tpu.memory_space<vmem>>, %arg10: memref<128x64xf32, #tpu.memory_space<vmem>>, %arg11: memref<128x64xf32, #tpu.memory_space<vmem>>, %arg12: memref<1x64xf32, #tpu.memory_space<vmem>>, %arg13: memref<256x64xf32, #tpu.memory_space<vmem>>, %arg14: memref<256x128xf32, #tpu.memory_space<vmem>>, %arg15: memref<256x128xf32, #tpu.memory_space<vmem>>, %arg16: memref<256x128xf32, #tpu.memory_space<vmem>>) attributes {dimension_semantics = [#tpu.dimension_semantics<arbitrary>], iteration_bounds = array<i64: 40>, scalar_prefetch = 0 : i64, scratch_operands = 3 : i64, tpu.core_type = #tpu.core_type<tc>, window_params = [{transform_indices = @transform_0, window_bounds = array<i64: 2, 256, 128>}, {transform_indices = @transform_1, window_bounds = array<i64: 2, 256, 128>}, {transform_indices = @transform_2, window_bounds = array<i64: 256, 128>}, {transform_indices = @transform_3, window_bounds = array<i64: 256, 1>}, {transform_indices = @transform_4, window_bounds = array<i64: 256, 1>}, {pipeline_mode = #tpu.pipeline_mode<synchronous>, transform_indices = @transform_5, window_bounds = array<i64: 1, 256>}, {pipeline_mode = #tpu.pipeline_mode<synchronous>, transform_indices = @transform_6, window_bounds = array<i64: 128, 128>}, {pipeline_mode = #tpu.pipeline_mode<synchronous>, transform_indices = @transform_7, window_bounds = array<i64: 128, 128>}, {pipeline_mode = #tpu.pipeline_mode<synchronous>, transform_indices = @transform_8, window_bounds = array<i64: 1, 128>}, {pipeline_mode = #tpu.pipeline_mode<synchronous>, transform_indices = @transform_9, window_bounds = array<i64: 128, 64>}, {pipeline_mode = #tpu.pipeline_mode<synchronous>, transform_indices = @transform_10, window_bounds = array<i64: 128, 64>}, {pipeline_mode = #tpu.pipeline_mode<synchronous>, transform_indices = @transform_11, window_bounds = array<i64: 1, 64>}, {pipeline_mode = #tpu.pipeline_mode<synchronous>, transform_indices = @transform_12, window_bounds = array<i64: 256, 64>}]} {
    %eq3A = arith.constant 0 : i32
    %eq3A_0 = arith.cmpi eq, %arg0, %eq3A : i32
    %convert_element_type3A = arith.extui %eq3A_0 : i1 to i32
    %cond3A = arith.constant 0 : i32
    %cond3A_1 = arith.cmpi ne, %convert_element_type3A, %cond3A : i32
    scf.if %cond3A_1 {
      %broadcast_in_dim3A_98 = arith.constant 0.000000e+00 : f32
      %broadcast_in_dim3A_99 = vector.broadcast %broadcast_in_dim3A_98 : f32 to vector<256x128xf32>
      %swap3A_100 = arith.constant 0 : index
      %swap3A_101 = arith.constant 0 : index
      %swap3A_102 = vector.load %arg14[%swap3A_100, %swap3A_101] : memref<256x128xf32, #tpu.memory_space<vmem>>, vector<256x128xf32>
      tpu.vector_store %arg14[%swap3A_100, %swap3A_101], %broadcast_in_dim3A_99 {strides = array<i32>} : memref<256x128xf32, #tpu.memory_space<vmem>>, vector<256x128xf32>,
      %broadcast_in_dim3A_103 = arith.constant 0.000000e+00 : f32
      %broadcast_in_dim3A_104 = vector.broadcast %broadcast_in_dim3A_103 : f32 to vector<256x128xf32>
      %swap3A_105 = arith.constant 0 : index
      %swap3A_106 = arith.constant 0 : index
      %swap3A_107 = vector.load %arg15[%swap3A_105, %swap3A_106] : memref<256x128xf32, #tpu.memory_space<vmem>>, vector<256x128xf32>
      tpu.vector_store %arg15[%swap3A_105, %swap3A_106], %broadcast_in_dim3A_104 {strides = array<i32>} : memref<256x128xf32, #tpu.memory_space<vmem>>, vector<256x128xf32>,
      %broadcast_in_dim3A_108 = arith.constant 0.000000e+00 : f32
      %broadcast_in_dim3A_109 = vector.broadcast %broadcast_in_dim3A_108 : f32 to vector<256x128xf32>
      %swap3A_110 = arith.constant 0 : index
      %swap3A_111 = arith.constant 0 : index
      %swap3A_112 = vector.load %arg16[%swap3A_110, %swap3A_111] : memref<256x128xf32, #tpu.memory_space<vmem>>, vector<256x128xf32>
      tpu.vector_store %arg16[%swap3A_110, %swap3A_111], %broadcast_in_dim3A_109 {strides = array<i32>} : memref<256x128xf32, #tpu.memory_space<vmem>>, vector<256x128xf32>,
    } else {
    }
    %get3A = arith.constant 0 : index
    %get3A_2 = arith.constant 0 : index
    %get3A_3 = arith.constant 0 : index
    %get3A_4 = vector.load %arg1[%get3A, %get3A_2, %get3A_3] : memref<2x256x128xf32, #tpu.memory_space<vmem>>, vector<1x256x128xf32>
    %get3A_5 = vector.shape_cast %get3A_4 : vector<1x256x128xf32> to vector<256x128xf32>
    %get3A_6 = arith.constant 1 : index
    %get3A_7 = arith.constant 0 : index
    %get3A_8 = arith.constant 0 : index
    %get3A_9 = vector.load %arg1[%get3A_6, %get3A_7, %get3A_8] : memref<2x256x128xf32, #tpu.memory_space<vmem>>, vector<1x256x128xf32>
    %get3A_10 = vector.shape_cast %get3A_9 : vector<1x256x128xf32> to vector<256x128xf32>
    %add3A = arith.addf %get3A_5, %get3A_10 : vector<256x128xf32>
    %get3A_11 = arith.constant 0 : index
    %get3A_12 = arith.constant 0 : index
    %get3A_13 = arith.constant 0 : index
    %get3A_14 = vector.load %arg2[%get3A_11, %get3A_12, %get3A_13] : memref<2x256x128xf32, #tpu.memory_space<vmem>>, vector<1x256x1xf32>
    %get3A_15 = vector.shape_cast %get3A_14 : vector<1x256x1xf32> to vector<256x1xf32>
    %get3A_16 = arith.constant 1 : index
    %get3A_17 = arith.constant 0 : index
    %get3A_18 = arith.constant 0 : index
    %get3A_19 = vector.load %arg2[%get3A_16, %get3A_17, %get3A_18] : memref<2x256x128xf32, #tpu.memory_space<vmem>>, vector<1x256x1xf32>
    %get3A_20 = vector.shape_cast %get3A_19 : vector<1x256x1xf32> to vector<256x1xf32>
    %add3A_21 = arith.addf %get3A_15, %get3A_20 : vector<256x1xf32>
    %max3A = arith.constant 1.000000e+00 : f32
    %max3A_22 = vector.broadcast %max3A : f32 to vector<256x1xf32>
    %max3A_23 = arith.maximumf %add3A_21, %max3A_22 : vector<256x1xf32>
    %div3A = vector.broadcast %max3A_23 : vector<256x1xf32> to vector<256x128xf32>
    %div3A_24 = arith.divf %add3A, %div3A : vector<256x128xf32>
    %get3A_25 = arith.constant 0 : index
    %get3A_26 = arith.constant 0 : index
    %get3A_27 = vector.load %arg7[%get3A_25, %get3A_26] : memref<128x128xf32, #tpu.memory_space<vmem>>, vector<128x128xf32>
    %dot_general3A = arith.constant dense<0.000000e+00> : vector<256x128xf32>
    %dot_general3A_28 = tpu.matmul %div3A_24, %get3A_27, %dot_general3A {dimension_numbers = #tpu.dot_dimension_numbers<[1], [0], [0], [1], [0, 0, 1, 1], [], []>, precision = #tpu.contract_precision<fp32>, transpose_lhs_hint = false} : vector<256x128xf32>, vector<128x128xf32>, vector<256x128xf32> -> vector<256x128xf32>
    %get3A_29 = arith.constant 0 : index
    %get3A_30 = arith.constant 0 : index
    %get3A_31 = vector.load %arg3[%get3A_29, %get3A_30] : memref<256x128xf32, #tpu.memory_space<vmem>>, vector<256x128xf32>
    %get3A_32 = arith.constant 0 : index
    %get3A_33 = arith.constant 0 : index
    %get3A_34 = vector.load %arg8[%get3A_32, %get3A_33] : memref<128x128xf32, #tpu.memory_space<vmem>>, vector<128x128xf32>
    %dot_general3A_35 = arith.constant dense<0.000000e+00> : vector<256x128xf32>
    %dot_general3A_36 = tpu.matmul %get3A_31, %get3A_34, %dot_general3A_35 {dimension_numbers = #tpu.dot_dimension_numbers<[1], [0], [0], [1], [0, 0, 1, 1], [], []>, precision = #tpu.contract_precision<fp32>, transpose_lhs_hint = false} : vector<256x128xf32>, vector<128x128xf32>, vector<256x128xf32> -> vector<256x128xf32>
    %add3A_37 = arith.addf %dot_general3A_28, %dot_general3A_36 : vector<256x128xf32>
    %get3A_38 = arith.constant 0 : index
    %get3A_39 = arith.constant 0 : index
    %get3A_40 = vector.load %arg9[%get3A_38, %get3A_39] : memref<1x128xf32, #tpu.memory_space<vmem>>, vector<1x128xf32>
    %add3A_41 = vector.broadcast %get3A_40 : vector<1x128xf32> to vector<256x128xf32>
    %add3A_42 = arith.addf %add3A_37, %add3A_41 : vector<256x128xf32>
    %iota3A = tpu.iota {dimensions = array<i32: 1>} : vector<256x256xi32>
    %get3A_43 = arith.constant 0 : index
    %get3A_44 = arith.constant 0 : index
    %get3A_45 = vector.load %arg5[%get3A_43, %get3A_44] : memref<256x1xi32, #tpu.memory_space<vmem>>, vector<256x1xi32>
    %eq3A_46 = vector.broadcast %get3A_45 : vector<256x1xi32> to vector<256x256xi32>
    %eq3A_47 = arith.cmpi eq, %eq3A_46, %iota3A : vector<256x256xi32>
    %convert_element_type3A_48 = arith.extui %eq3A_47 : vector<256x256xi1> to vector<256x256xi32>
    %convert_element_type3A_49 = arith.sitofp %convert_element_type3A_48 : vector<256x256xi32> to vector<256x256xf32>
    %get3A_50 = arith.constant 0 : index
    %get3A_51 = arith.constant 0 : index
    %get3A_52 = vector.load %arg4[%get3A_50, %get3A_51] : memref<256x1xf32, #tpu.memory_space<vmem>>, vector<256x1xf32>
    %mul3A = vector.broadcast %get3A_52 : vector<256x1xf32> to vector<256x256xf32>
    %mul3A_53 = arith.mulf %convert_element_type3A_49, %mul3A : vector<256x256xf32>
    %get3A_54 = arith.constant 0 : index
    %get3A_55 = arith.constant 0 : index
    %get3A_56 = vector.load %arg14[%get3A_54, %get3A_55] : memref<256x128xf32, #tpu.memory_space<vmem>>, vector<256x128xf32>
    %dot_general3A_57 = arith.constant dense<0.000000e+00> : vector<256x128xf32>
    %dot_general3A_58 = tpu.matmul %mul3A_53, %add3A_42, %dot_general3A_57 {dimension_numbers = #tpu.dot_dimension_numbers<[0], [0], [1], [1], [0, 1, 1, 1], [], []>, precision = #tpu.contract_precision<fp32>, transpose_lhs_hint = false} : vector<256x256xf32>, vector<256x128xf32>, vector<256x128xf32> -> vector<256x128xf32>
    %add3A_59 = arith.addf %get3A_56, %dot_general3A_58 : vector<256x128xf32>
    %swap3A = arith.constant 0 : index
    %swap3A_60 = arith.constant 0 : index
    %swap3A_61 = vector.load %arg14[%swap3A, %swap3A_60] : memref<256x128xf32, #tpu.memory_space<vmem>>, vector<256x128xf32>
    tpu.vector_store %arg14[%swap3A, %swap3A_60], %add3A_59 {strides = array<i32>} : memref<256x128xf32, #tpu.memory_space<vmem>>, vector<256x128xf32>,
    %get3A_62 = arith.constant 0 : index
    %get3A_63 = arith.constant 0 : index
    %get3A_64 = vector.load %arg15[%get3A_62, %get3A_63] : memref<256x128xf32, #tpu.memory_space<vmem>>, vector<256x128xf32>
    %broadcast_in_dim3A = arith.constant 1.000000e+00 : f32
    %broadcast_in_dim3A_65 = vector.broadcast %broadcast_in_dim3A : f32 to vector<256x128xf32>
    %dot_general3A_66 = arith.constant dense<0.000000e+00> : vector<256x128xf32>
    %dot_general3A_67 = tpu.matmul %convert_element_type3A_49, %broadcast_in_dim3A_65, %dot_general3A_66 {dimension_numbers = #tpu.dot_dimension_numbers<[0], [0], [1], [1], [0, 1, 1, 1], [], []>, precision = #tpu.contract_precision<fp32>, transpose_lhs_hint = false} : vector<256x256xf32>, vector<256x128xf32>, vector<256x128xf32> -> vector<256x128xf32>
    %add3A_68 = arith.addf %get3A_64, %dot_general3A_67 : vector<256x128xf32>
    %swap3A_69 = arith.constant 0 : index
    %swap3A_70 = arith.constant 0 : index
    %swap3A_71 = vector.load %arg15[%swap3A_69, %swap3A_70] : memref<256x128xf32, #tpu.memory_space<vmem>>, vector<256x128xf32>
    tpu.vector_store %arg15[%swap3A_69, %swap3A_70], %add3A_68 {strides = array<i32>} : memref<256x128xf32, #tpu.memory_space<vmem>>, vector<256x128xf32>,
    %mul3A_72 = arith.constant 256 : i32
    %mul3A_73 = arith.muli %arg0, %mul3A_72 : i32
    %iota3A_74 = tpu.iota {dimensions = array<i32: 0>} : vector<256x256xi32>
    %add3A_75 = vector.broadcast %mul3A_73 : i32 to vector<256x256xi32>
    %add3A_76 = arith.addi %add3A_75, %iota3A_74 : vector<256x256xi32>
    %get3A_77 = arith.constant 0 : index
    %get3A_78 = arith.constant 0 : index
    %get3A_79 = vector.load %arg6[%get3A_77, %get3A_78] : memref<1x256xi32, #tpu.memory_space<vmem>>, vector<1x256xi32>
    %eq3A_80 = vector.broadcast %get3A_79 : vector<1x256xi32> to vector<256x256xi32>
    %eq3A_81 = arith.cmpi eq, %add3A_76, %eq3A_80 : vector<256x256xi32>
    %convert_element_type3A_82 = arith.extui %eq3A_81 : vector<256x256xi1> to vector<256x256xi32>
    %convert_element_type3A_83 = arith.sitofp %convert_element_type3A_82 : vector<256x256xi32> to vector<256x256xf32>
    %get3A_84 = arith.constant 0 : index
    %get3A_85 = arith.constant 0 : index
    %get3A_86 = vector.load %arg16[%get3A_84, %get3A_85] : memref<256x128xf32, #tpu.memory_space<vmem>>, vector<256x128xf32>
    %dot_general3A_87 = arith.constant dense<0.000000e+00> : vector<256x128xf32>
    %dot_general3A_88 = tpu.matmul %convert_element_type3A_83, %add3A_42, %dot_general3A_87 {dimension_numbers = #tpu.dot_dimension_numbers<[0], [0], [1], [1], [0, 1, 1, 1], [], []>, precision = #tpu.contract_precision<fp32>, transpose_lhs_hint = false} : vector<256x256xf32>, vector<256x128xf32>, vector<256x128xf32> -> vector<256x128xf32>
    %add3A_89 = arith.addf %get3A_86, %dot_general3A_88 : vector<256x128xf32>
    %swap3A_90 = arith.constant 0 : index
    %swap3A_91 = arith.constant 0 : index
    %swap3A_92 = vector.load %arg16[%swap3A_90, %swap3A_91] : memref<256x128xf32, #tpu.memory_space<vmem>>, vector<256x128xf32>
    tpu.vector_store %arg16[%swap3A_90, %swap3A_91], %add3A_89 {strides = array<i32>} : memref<256x128xf32, #tpu.memory_space<vmem>>, vector<256x128xf32>,
    %eq3A_93 = arith.constant 39 : i32
    %eq3A_94 = arith.cmpi eq, %arg0, %eq3A_93 : i32
    %convert_element_type3A_95 = arith.extui %eq3A_94 : i1 to i32
    %cond3A_96 = arith.constant 0 : i32
    %cond3A_97 = arith.cmpi ne, %convert_element_type3A_95, %cond3A_96 : i32
    scf.if %cond3A_97 {
      %get3A_98 = arith.constant 0 : index
      %get3A_99 = arith.constant 0 : index
      %get3A_100 = vector.load %arg14[%get3A_98, %get3A_99] : memref<256x128xf32, #tpu.memory_space<vmem>>, vector<256x128xf32>
      %get3A_101 = arith.constant 0 : index
      %get3A_102 = arith.constant 0 : index
      %get3A_103 = vector.load %arg15[%get3A_101, %get3A_102] : memref<256x128xf32, #tpu.memory_space<vmem>>, vector<256x128xf32>
      %max3A_104 = arith.constant 1.000000e+00 : f32
      %max3A_105 = vector.broadcast %max3A_104 : f32 to vector<256x128xf32>
      %max3A_106 = arith.maximumf %get3A_103, %max3A_105 : vector<256x128xf32>
      %div3A_107 = arith.divf %get3A_100, %max3A_106 : vector<256x128xf32>
      %get3A_108 = arith.constant 0 : index
      %get3A_109 = arith.constant 0 : index
      %get3A_110 = vector.load %arg16[%get3A_108, %get3A_109] : memref<256x128xf32, #tpu.memory_space<vmem>>, vector<256x128xf32>
      %get3A_111 = arith.constant 0 : index
      %get3A_112 = arith.constant 0 : index
      %get3A_113 = vector.load %arg10[%get3A_111, %get3A_112] : memref<128x64xf32, #tpu.memory_space<vmem>>, vector<128x64xf32>
      %dot_general3A_114 = arith.constant dense<0.000000e+00> : vector<256x64xf32>
      %dot_general3A_115 = tpu.matmul %get3A_110, %get3A_113, %dot_general3A_114 {dimension_numbers = #tpu.dot_dimension_numbers<[1], [0], [0], [1], [0, 0, 1, 1], [], []>, precision = #tpu.contract_precision<fp32>, transpose_lhs_hint = false} : vector<256x128xf32>, vector<128x64xf32>, vector<256x64xf32> -> vector<256x64xf32>
      %get3A_116 = arith.constant 0 : index
      %get3A_117 = arith.constant 0 : index
      %get3A_118 = vector.load %arg11[%get3A_116, %get3A_117] : memref<128x64xf32, #tpu.memory_space<vmem>>, vector<128x64xf32>
      %dot_general3A_119 = arith.constant dense<0.000000e+00> : vector<256x64xf32>
      %dot_general3A_120 = tpu.matmul %div3A_107, %get3A_118, %dot_general3A_119 {dimension_numbers = #tpu.dot_dimension_numbers<[1], [0], [0], [1], [0, 0, 1, 1], [], []>, precision = #tpu.contract_precision<fp32>, transpose_lhs_hint = false} : vector<256x128xf32>, vector<128x64xf32>, vector<256x64xf32> -> vector<256x64xf32>
      %add3A_121 = arith.addf %dot_general3A_115, %dot_general3A_120 : vector<256x64xf32>
      %get3A_122 = arith.constant 0 : index
      %get3A_123 = arith.constant 0 : index
      %get3A_124 = vector.load %arg12[%get3A_122, %get3A_123] : memref<1x64xf32, #tpu.memory_space<vmem>>, vector<1x64xf32>
      %add3A_125 = vector.broadcast %get3A_124 : vector<1x64xf32> to vector<256x64xf32>
      %add3A_126 = arith.addf %add3A_121, %add3A_125 : vector<256x64xf32>
      %swap3A_127 = arith.constant 0 : index
      %swap3A_128 = arith.constant 0 : index
      %swap3A_129 = vector.load %arg13[%swap3A_127, %swap3A_128] : memref<256x64xf32, #tpu.memory_space<vmem>>, vector<256x64xf32>
      tpu.vector_store %arg13[%swap3A_127, %swap3A_128], %add3A_126 {strides = array<i32>} : memref<256x64xf32, #tpu.memory_space<vmem>>, vector<256x64xf32>,
    } else {
    }
    return
  }
  func.func @transform_0(%arg0: i32) -> (i32, i32, i32) {
    %c0_i32 = arith.constant 0 : i32
    %c0_i32_0 = arith.constant 0 : i32
    %c0_i32_1 = arith.constant 0 : i32
    return %c0_i32, %arg0, %c0_i32_0 : i32, i32, i32
  }
  func.func @transform_1(%arg0: i32) -> (i32, i32, i32) {
    %c0_i32 = arith.constant 0 : i32
    %c0_i32_0 = arith.constant 0 : i32
    %c0_i32_1 = arith.constant 0 : i32
    return %c0_i32, %arg0, %c0_i32_0 : i32, i32, i32
  }
  func.func @transform_2(%arg0: i32) -> (i32, i32) {
    %c0_i32 = arith.constant 0 : i32
    %c0_i32_0 = arith.constant 0 : i32
    return %arg0, %c0_i32 : i32, i32
  }
  func.func @transform_3(%arg0: i32) -> (i32, i32) {
    %c0_i32 = arith.constant 0 : i32
    %c0_i32_0 = arith.constant 0 : i32
    return %arg0, %c0_i32 : i32, i32
  }
  func.func @transform_4(%arg0: i32) -> (i32, i32) {
    %c0_i32 = arith.constant 0 : i32
    %c0_i32_0 = arith.constant 0 : i32
    return %arg0, %c0_i32 : i32, i32
  }
  func.func @transform_5(%arg0: i32) -> (i32, i32) {
    %c0_i32 = arith.constant 0 : i32
    %c0_i32_0 = arith.constant 0 : i32
    %c0_i32_1 = arith.constant 0 : i32
    return %c0_i32, %c0_i32_0 : i32, i32
  }
  func.func @transform_6(%arg0: i32) -> (i32, i32) {
    %c0_i32 = arith.constant 0 : i32
    %c0_i32_0 = arith.constant 0 : i32
    %c0_i32_1 = arith.constant 0 : i32
    return %c0_i32, %c0_i32_0 : i32, i32
  }
  func.func @transform_7(%arg0: i32) -> (i32, i32) {
    %c0_i32 = arith.constant 0 : i32
    %c0_i32_0 = arith.constant 0 : i32
    %c0_i32_1 = arith.constant 0 : i32
    return %c0_i32, %c0_i32_0 : i32, i32
  }
  func.func @transform_8(%arg0: i32) -> (i32, i32) {
    %c0_i32 = arith.constant 0 : i32
    %c0_i32_0 = arith.constant 0 : i32
    %c0_i32_1 = arith.constant 0 : i32
    return %c0_i32, %c0_i32_0 : i32, i32
  }
  func.func @transform_9(%arg0: i32) -> (i32, i32) {
    %c0_i32 = arith.constant 0 : i32
    %c0_i32_0 = arith.constant 0 : i32
    %c0_i32_1 = arith.constant 0 : i32
    return %c0_i32, %c0_i32_0 : i32, i32
  }
  func.func @transform_10(%arg0: i32) -> (i32, i32) {
    %c0_i32 = arith.constant 0 : i32
    %c0_i32_0 = arith.constant 0 : i32
    %c0_i32_1 = arith.constant 0 : i32
    return %c0_i32, %c0_i32_0 : i32, i32
  }
  func.func @transform_11(%arg0: i32) -> (i32, i32) {
    %c0_i32 = arith.constant 0 : i32
    %c0_i32_0 = arith.constant 0 : i32
    %c0_i32_1 = arith.constant 0 : i32
    return %c0_i32, %c0_i32_0 : i32, i32
  }
  func.func @transform_12(%arg0: i32) -> (i32, i32) {
    %c0_i32 = arith.constant 0 : i32
    %c0_i32_0 = arith.constant 0 : i32
    %c0_i32_1 = arith.constant 0 : i32
    return %c0_i32, %c0_i32_0 : i32, i32
  }
}

</mosaic_0001>

<sc_bundles>
// kernel: kernel.6.cloned.1.call-start
scs
__scs_entry_jumppad:
0x0: {  	(pc) =	sbr.rel $0x88, $3  }
0x1: {  	(tag) =	ssettag $0x0;
	lr =	simm.s32 $0x1  }
0x2: {  	[smem:$0x3F94] =	sst lr;
	_ =	strace $0xD0000000  }
0x3: {  	_ = 	snop  }
0x4: {  	_ = 	snop  }
0x5: {  	_ = 	snop  }
0x6: {  	_ = 	snop  }
0x7: {  	_ = 	snop  }
__scs_overlays_trampoline_lowered:
0x8: {  	[smem:$0x3FA3] =	sst s0  }
0x9: {  	[smem:$0x3FA4] =	sst s1  }
0xa: {  	[smem:$0x3FA5] =	sst s2  }
0xb: {  	[smem:$0x3FA6] =	sst s3  }
0xc: {  	[smem:$0x3FA7] =	sst s4  }
0xd: {  	[smem:$0x3FA8] =	sst s5  }
0xe: {  	[smem:$0x3FA9] =	sst s6  }
0xf: {  	[smem:$0x3FAA] =	sst s7  }
0x10: {  	[smem:$0x3FAB] =	sst s8  }
0x11: {  	[smem:$0x3FAC] =	sst s9;
	s0 =	simm.s32 @!p0 $0x0  }
0x12: {  	s1 =	sld [smem:$0x3F92];
	s0 =	simm.s32 @p0 $0x1  }
0x13: {  	[smem:$0x3FAD] =	sst s0;
	s0 =	simm.s32 @!p1 $0x0  }
0x14: {  	s2 =	sld [smem:$0x3F91];
	s0 =	simm.s32 @p1 $0x1  }
0x15: {  	[smem:$0x3FAE] =	sst s0;
	s0 =	simm.s32 @!p2 $0x0  }
0x16: {  	s3 =	sld [smem:$0x3FDB];
	s0 =	simm.s32 @p2 $0x1  }
0x17: {  	s4 =	simm.s32 $0x1BF5;
	[smem:$0x3FB0] =	sst s0  }
0x18: {  	s0 =	sld [smem:$0x3F93];
	_ =	swait.ge [sflag:s4], $0x0  }
0x19: {  	s7 =	sld [smem:$0x3F94]  }
0x1a: {  	s8 =	sadd.s32 $0xFFFFE003, lr  }
0x1b: {  	s9 =	sadd.s32 $0xFFFFFEF7, lr;
	s5 =	simm.s32 $0xFFFFFFFF;
	p2 =	slt.u32 s8, $0xFFFFF086  }
0x1c: {  	p1 =	slt.u32 s9, $0xF7A;
	s5 =	simm.s32 @!p2 $0x0  }
0x1d: {  	s5 =	simm.s32 @p1 $0x1;
	p0 =	seq.s32 s7, s2  }
0x1e: {  	s7 =	smul.u32 @!p0 $0xF7A, s2;
	p2 =	seq.s32 @!p0 s5, $0x0  }
0x1f: {  	s9 =	smul.u32 $0xF7A, s1;
	s8 =	simm.s32 @!p0 $0x1BF5;
	p2 =	por !p2, p0  }
0x20: {  	[sflag:s8] =	ssyncset.s32 @!p0 $0xFFFFF086;
	s6 =	sadd.s32 @!p0 s3, s7;
	s7 =	simm.s32 @!p0 $0x108  }
0x21: {  	s3 =	sadd.s32 s3, s9;
	s6 =	sadd.s32 @!p0 $0x88, s6;
	s7 =	simm.s32 @p2 $0x1082  }
0x22: {  	[simem:s7], [sflag:s8] =	dma.local @!p0 [hbm:s6], $0xF7A  }
0x23: {  	s9 =	sor.u32 $0xD0000000, s2;
	s6 =	simm.s32 $0x108;
	_ =	swait.ge @!p0 [sflag:s8], $0x0  }
0x24: {  	s3 =	sadd.s32 $0x88, s3;
	s6 =	simm.s32 @!p1 $0x1082;
	[sflag:s4] =	ssyncset.s32 $0xFFFFF086  }
0x25: {  	[simem:s6], [sflag:s4] =	dma.local [hbm:s3], $0xF7A  }
0x26: {  	[smem:$0x3F94] =	sst s1;
	(tag) =	ssettag s2;
	_ =	strace s9  }
0x27: {  	s1 =	sld [smem:$0x3FA4]  }
0x28: {  	s2 =	sld [smem:$0x3FA5]  }
0x29: {  	s4 =	sld [smem:$0x3FA7]  }
0x2a: {  	p0 =	seq.s32 s5, $0x0;
	s5 =	sld [smem:$0x3FA8]  }
0x2b: {  	s6 =	sld [smem:$0x3FA9]  }
0x2c: {  	s7 =	sld [smem:$0x3FAA]  }
0x2d: {  	s3 =	simm.s32 $0x108;
	s8 =	sld [smem:$0x3FAB]  }
0x2e: {  	s3 =	simm.s32 @!p0 $0x1082;
	s9 =	sld [smem:$0x3FAC]  }
0x2f: {  	lr =	sadd.s32 s0, s3;
	s0 =	sld [smem:$0x3FA3]  }
0x30: {  	s3 =	sld [smem:$0x3FA6]  }
0x31: {  	[smem:$0x3FAF] =	sst s10  }
0x32: {  	s10 =	sld [smem:$0x3FAD];
	_ =	sdelay $0x3  }
0x33: {  	p0 =	seq.s32 s10, $0x1;
	s10 =	sld [smem:$0x3FAF];
	_ =	sdelay $0x3  }
0x34: {  	[smem:$0x3FAF] =	sst s10  }
0x35: {  	s10 =	sld [smem:$0x3FAE];
	_ =	sdelay $0x3  }
0x36: {  	p1 =	seq.s32 s10, $0x1;
	s10 =	sld [smem:$0x3FAF];
	_ =	sdelay $0x3  }
0x37: {  	[smem:$0x3FAF] =	sst s10  }
0x38: {  	s10 =	sld [smem:$0x3FB0]  }
0x39: {  	_ = 	snop;
	(pc) =	sbr.ind lr, $3  }
0x3a: {  	_ = 	snop  }
0x3b: {  	_ = 	snop  }
0x3c: {  	p2 =	seq.s32 s10, $0x1;
	s10 =	sld [smem:$0x3FAF]  }
0x3d: {  	_ =	shalt  }
0x3e: {  	_ =	shalt  }
0x3f: {  	_ =	shalt  }
0x40: {  	_ =	shalt  }
0x41: {  	_ =	shalt  }
0x42: {  	_ =	shalt  }
0x43: {  	_ =	shalt  }
0x44: {  	_ =	shalt  }
0x45: {  	_ =	shalt  }
0x46: {  	_ =	shalt  }
0x47: {  	_ =	shalt  }
0x48: {  	_ =	shalt  }
0x49: {  	_ =	shalt  }
0x4a: {  	_ =	shalt  }
0x4b: {  	_ =	shalt  }
0x4c: {  	_ =	shalt  }
0x4d: {  	_ =	shalt  }
0x4e: {  	_ =	shalt  }
0x4f: {  	_ =	shalt  }
0x50: {  	_ =	shalt  }
0x51: {  	_ =	shalt  }
0x52: {  	_ =	shalt  }
0x53: {  	_ =	shalt  }
0x54: {  	_ =	shalt  }
0x55: {  	_ =	shalt  }
0x56: {  	_ =	shalt  }
0x57: {  	_ =	shalt  }
0x58: {  	_ =	shalt  }
0x59: {  	_ =	shalt  }
0x5a: {  	_ =	shalt  }
0x5b: {  	_ =	shalt  }
0x5c: {  	_ =	shalt  }
0x5d: {  	_ =	shalt  }
0x5e: {  	_ =	shalt  }
0x5f: {  	_ =	shalt  }
0x60: {  	_ =	shalt  }
0x61: {  	_ =	shalt  }
0x62: {  	_ =	shalt  }
0x63: {  	_ =	shalt  }
0x64: {  	_ =	shalt  }
0x65: {  	_ =	shalt  }
0x66: {  	_ =	shalt  }
0x67: {  	_ =	shalt  }
0x68: {  	_ =	shalt  }
0x69: {  	_ =	shalt  }
0x6a: {  	_ =	shalt  }
0x6b: {  	_ =	shalt  }
0x6c: {  	_ =	shalt  }
0x6d: {  	_ =	shalt  }
0x6e: {  	_ =	shalt  }
0x6f: {  	_ =	shalt  }
0x70: {  	_ =	shalt  }
0x71: {  	_ =	shalt  }
0x72: {  	_ =	shalt  }
0x73: {  	_ =	shalt  }
0x74: {  	_ =	shalt  }
0x75: {  	_ =	shalt  }
0x76: {  	_ =	shalt  }
0x77: {  	_ =	shalt  }
0x78: {  	_ =	shalt  }
0x79: {  	_ =	shalt  }
0x7a: {  	_ =	shalt  }
0x7b: {  	_ =	shalt  }
0x7c: {  	_ =	shalt  }
0x7d: {  	_ =	shalt  }
0x7e: {  	_ =	shalt  }
0x7f: {  	_ =	shalt  }
0x80: {  	_ =	shalt  }
0x81: {  	_ =	shalt  }
0x82: {  	_ =	shalt  }
0x83: {  	_ =	shalt  }
0x84: {  	_ =	shalt  }
0x85: {  	_ =	shalt  }
0x86: {  	_ =	shalt  }
0x87: {  	_ =	shalt  }
.Lfunc_end0:
.L_simem_size_0:
called_computation_lowered:
.L_overlay_start_0:
0x88: {  	s2 =	sld [smem:$0x3FD9]  }
0x89: {  	s3 =	sld [smem:$0x3FFE];
	_ =	sdelay $0x1  }
0x8a: {  	s1 =	srdreg.scid  }
0x8b: {  	s0 =	sand.u32 $0x1, s1  }
0x8c: {  	s16 =	sshll.u32 s0, $0xA;
	s2 =	sadd.s32 s3, s2  }
0x8d: {  	s2 =	sadd.s32 s2, s16  }
0x8e: {  	[smem:$0x3FBB] =	sst s2  }
0x8f: {  	_ = 	snop  }
0x90: {  	(tm) =	ssettm $0x1  }
0x91: {  	s17 =	sld [smem:$0x3FFB];
	_ =	sdelay $0x3  }
0x92: {  	_ =	strace s17  }
0x93: {  	s2 =	sld [smem:$0x3FFC];
	_ =	sdelay $0x3  }
0x94: {  	_ =	strace s2  }
0x95: {  	s2 =	sld [smem:$0x3FFD];
	_ =	sdelay $0x3  }
0x96: {  	_ =	strace s2  }
0x97: {  	_ =	strace $0x8FFFFFFF  }
0x98: {  	s18 =	sld [smem:$0x3FDB];
	_ =	sdelay $0x1  }
0x99: {  	s19 =	simm.s32 $_scs_section_size  }
0x9a: {  	s4 =	simm.s32 $_size__tile_overlayer_lowered;
	s5 =	simm.s32 $_tile_overlayer_lowered  }
0x9b: {  	s22 =	simm.s32 $0x1BFF;
	s21 =	sshll.u32 s5, $0x1;
	s2 =	sadd.s32 s19, s18  }
0x9c: {  	s6 =	simm.s32 $0x0;
	s20 =	sshll.u32 s4, $0x1;
	s4 =	sadd.s32 s21, s2  }
0x9d: {  	[timem:s6], [sflag:s22] =	dma.local [hbm:s4], s20  }
0x9e: {  	_ =	swait.ge [sflag:s22], s20  }
0x9f: {  	s3 =	ssub.s32 $0x0, s20;
	[sflag:s22] =	ssyncset.done $0x0  }
0xa0: {  	[sflag:s22] =	ssyncadd.s32 s3;
	_ =	sdelay $0x1  }
0xa1: {  	s23 =	simm.s32 $0x1B8B  }
0xa2: {  	_ =	swait.ge [sflag:s23], $0x1  }
0xa3: {  	[sflag:s23] =	ssyncset.done $0x0  }
0xa4: {  	s25 =	simm.s32 $0x1B8E;
	s24 =	sld [smem:$0x3FFE];
	[sflag:s23] =	ssyncadd.s32 $0xFFFFFFFF  }
0xa5: {  	s26 =	simm.s32 $execute0_lowered;
	[smem:$0x3FD2] =	sst s25  }
0xa6: {  	s4 =	sshll.u32 s26, $0x1;
	_ =	strace $0x80000046;
	[dreg:$0x1] =	wrdreg $0xFFFFFFFF  }
0xa7: {  	s28 =	simm.s32 $_size_execute0_lowered;
	s2 =	sadd.s32 s2, s4;
	[dreg:$0x0] =	wrdreg $0x0  }
0xa8: {  	s4 =	sshll.u32 s28, $0x1;
	[dreg:$0x2] =	wrdreg s2  }
0xa9: {  	[dreg:$0x3] =	wrdreg s4  }
0xaa: {  	[dreg:$0x4] =	wrdreg $0xC0  }
0xab: {  	_ =	task [dreg:s6], $0x5FFFF  }
0xac: {  	[dreg:$0x1] =	wrdreg $0xFFFFFFFF  }
0xad: {  	[dreg:$0x0] =	wrdreg $0x60  }
0xae: {  	[dreg:$0x2] =	wrdreg s24  }
0xaf: {  	[dreg:$0x3] =	wrdreg $0x49000  }
0xb0: {  	[dreg:$0x4] =	wrdreg $0x9  }
0xb1: {  	_ =	task.clear_ibuf [dreg:s6], $0x5FFFF;
	_ =	strace $0x90000046  }
0xb2: {  	s29 =	simm.s32 $0x9;
	_ =	strace $0x80000048  }
0xb3: {  	_ =	swait.ge [sflag:s29], $0x1  }
0xb4: {  	[sflag:s29] =	ssyncadd.s32 $0xFFFFFFFF  }
0xb5: {  	_ =	strace $0x90000048  }
0xb6: {  	_ =	sfence  }
0xb7: {  	s30 =	sld [smem:$0x0];
	_ =	sdelay $0x2  }
0xb8: {  	s31 =	sshll.u32 s1, $0xD;
	s1 =	sshrl.u32 s1, $0x2  }
0xb9: {  	s3 =	sand.u32 $0x4000, s31;
	s1 =	sadd.s32 s1, s30  }
0xba: {  	s0 =	sor.u32 s3, s0;
	s1 =	sshll.u32 s1, $0x11  }
0xbb: {  	s0 =	sor.u32 s1, s0  }
0xbc: {  	s0 =	sadd.s32 $0x8F2B, s0  }
0xbd: {  	[sflag:s0] =	ssyncadd.remote.s32 $0x1  }
0xbe: {  	_ =	sfence.sel $0xFFFF  }
0xbf: {  	[dreg:$0x0] =	wrdreg $0xFFFFFFFF;
	(pc) =	sbr.abs _section_cstart, $3  }
0xc0: {  	[dreg:$0x1] =	wrdreg $0xFFFFFFFF  }
0xc1: {  	_ =	task.clear_ibuf [dreg:s6], $0x2FFFF;
	_ =	strace $0x9FFFFFFF  }
0xc2: {  	(tm) =	ssettm $0x7FFFFFFF  }
0xc3: {  	_ =	shalt  }
tec
execute0_lowered:
.L_overlay_start_1:
0x0: {  	(tag) =	ssettag $0x1  }
0x1: {  	s7 =	rddreg [dreg:$0x0]  }
0x2: {  	s2 =	rddreg [dreg:$0x1]  }
0x3: {  	s0 =	rddreg [dreg:$0x2]  }
0x4: {  	s4 =	srdreg.scid;
	s1 =	stileid.u32  }
0x5: {  	s3 =	simm.s32 $0x0;
	s14 =	simm.s32 $0x80;
	s15 =	simm.s32 $0x100  }
0x6: {  	s16 =	simm.s32 $0x1;
	s17 =	simm.s32 $0x0;
	s6 =	smul.u32 $0x280, s1  }
0x7: {  	s8 =	sand.u32 $0x1, s4;
	[smem:$0x7FF] =	sst s3;
	s10 =	smul.u32 $0x50000, s1  }
0x8: {  	s4 =	sadd.s32 $0x3400, s7;
	s5 =	sadd.s32 $0x35400, s7;
	s12 =	smul.u32 $0x500, s1  }
0x9: {  	s9 =	smul.u32 $0x2800, s8;
	_ =	strace $0x80000047;
	s30 =	ssub.s32 $0x2, s8  }
0xa: {  	s11 =	smul.u32 $0x5000, s8;
	s31 =	sshrl.u32 s30, $0x1;
	s10 =	sshrl.u32 s10, $0x2  }
0xb: {  	s9 =	sadd.s32 s6, s9;
	s6 =	sadd.s32 $0x2B400, s7;
	s13 =	ssub.s32 s30, s31  }
0xc: {  	s11 =	sadd.s32 s12, s11;
	s12 =	simm.s32 $0x4100;
	s9 =	sshll.u32 s9, $0x4  }
0xd: {  	s9 =	sadd.s32 s9, s7;
	s7 =	sadd.s32 s10, s2;
	s10 =	smax.u32 s13, $0x1  }
0xe: {  	v0 =	vimm.f32 $0.0e+00;
	v1 =	vimm.f32 $1.000000000e+00;
	s13 =	simm.s32 $0x2;
	s8 =	sadd.s32 $0x3F400, s9;
	s9 =	sadd.s32 $0x8F400, s9  }
.LBB2_1:
0xf: {  	s18 =	simm.s32 $0x0;
	s19 =	simm.s32 $0x0  }
.LBB2_2:
0x10: {  	p0 =	sne.s32 s19, $0x1FC0  }
.Ltmp0:
0x11: {  	_ = 	snop;
	(pc) =	sbr.rel @p0 .LBB2_2-.Ltmp0, $4  }
0x12: {  	s20 =	sand.u32 $0x1E00, s19  }
0x13: {  	s21 =	sand.u32 $0x70, s18;
	s20 =	sshrl.u32 s20, $0x2  }
0x14: {  	s20 =	sor.u32 s21, s20  }
0x15: {  	s18 =	sadd.s32 $0x10, s18;
	s19 =	sadd.s32 $0x40, s19;
	[tilespmem:s20+$0x4100] =	vst v0  }
0x16: {  	s18 =	sadd.s32 $0x0, s7  }
0x17: {  	[spmem:s18] =	stream.linear.scatter [tilespmem:s12], [sflag:$0x2], $0x800, $0x38;
	[tilespmem:$0x18900] =	vst v63  }
0x18: {  	s18 =	simm.s32 $0x2000;
	_ =	swait.ge [sflag:s13], $0x800  }
.LBB2_4:
0x19: {  	s19 =	sshra.s32 s18, $0x2;
	[sflag:s13] =	ssyncset.done $0x0;
	p0 =	sne.s32 s18, $0x4E000  }
.Ltmp1:
0x1a: {  	s19 =	sadd.s32 s19, s7;
	[sflag:s13] =	ssyncadd.s32 $0xFFFFF800;
	(pc) =	sbr.rel @p0 .LBB2_4-.Ltmp1, $3  }
0x1b: {  	[spmem:s19] =	stream.linear.scatter [tilespmem:s12], [sflag:$0x2], $0x800, $0x38;
	[tilespmem:$0x18900] =	vst v63  }
0x1c: {  	s18 =	sadd.s32 $0x2000, s18;
	_ =	sdelay $0x1  }
0x1d: {  	_ =	swait.ge [sflag:s13], $0x800  }
0x1e: {  	s18 =	simm.s32 $0x0;
	s19 =	sadd.s32 $0x0, s11  }
0x1f: {  	[sflag:s13] =	ssyncset.done $0x0;
	s19 =	sand.u32 $0xFFFFF80, s19;
	s18 =	sand.u32 $0x70, s18  }
0x20: {  	[sflag:s13] =	ssyncadd.s32 $0xFFFFF800;
	s18 =	sor.u32 s18, s19  }
0x21: {  	[bflag:$0x0] =	sbarrier.arrive $0xFFFF;
	s19 =	sadd.s32 s5, s18  }
0x22: {  	[tilespmem:s3], [sflag:$0x2] =	stream.linear.gather [hbm4b:s19+s3], $0x80, $0x38;
	[tilespmem:$0x18900] =	vst v63  }
0x23: {  	_ =	swait.ge [sflag:s13], $0x80  }
0x24: {  	[sflag:s13] =	ssyncset.done $0x0  }
0x25: {  	s18 =	sadd.s32 s6, s18;
	[sflag:s13] =	ssyncadd.s32 $0xFFFFFF80  }
0x26: {  	[tilespmem:s14], [sflag:$0x2] =	stream.linear.gather [hbm4b:s18+s3], $0x80, $0x38;
	[tilespmem:$0x18900] =	vst v63  }
0x27: {  	_ =	swait.ge [sflag:s13], $0x80  }
0x28: {  	[sflag:s13] =	ssyncset.done $0x0  }
0x29: {  	[sflag:s13] =	ssyncadd.s32 $0xFFFFFF80  }
0x2a: {  	[tilespmem:s15], [sflag:$0x1] =	stream.indirect.gather [hbm4b:s4+s14], $0x80, s3, s14, $0xb8;
	[tilespmem:$0x18900] =	vst v63  }
0x2b: {  	_ =	swait.ge [sflag:s16], $0x4000  }
0x2c: {  	[sflag:s16] =	ssyncset.done $0x0  }
0x2d: {  	s30 =	simm.s32 $0x10;
	s31 =	sadd.s32 $0x10, s11;
	[sflag:s16] =	ssyncadd.s32 $0xFFFFC000  }
0x2e: {  	[spmem:s2] =	stream.indirect.scatter.add.f32 [tilespmem:s15], [sflag:$0x2], $0x80, s14, s14, $0xb8;
	[tilespmem:$0x18900] =	vst v63  }
0x2f: {  	s20 =	sand.u32 $0xFFFFF80, s31;
	s18 =	sand.u32 $0x70, s30;
	_ =	swait.ge [sflag:s13], $0x4000  }
0x30: {  	s19 =	simm.s32 $0x20;
	s18 =	sor.u32 s18, s20;
	[sflag:s13] =	ssyncset.done $0x0  }
.LBB2_6:
0x31: {  	s20 =	sadd.s32 s5, s18  }
0x32: {  	[sflag:s13] =	ssyncadd.s32 $0xFFFFC000;
	s21 =	smov.u32 s19;
	s22 =	sadd.s32 $0x10, s19  }
0x33: {  	[tilespmem:s3], [sflag:$0x2] =	stream.linear.gather [hbm4b:s20+s3], $0x80, $0x38;
	[tilespmem:$0x18900] =	vst v63  }
0x34: {  	p0 =	sne.s32 s19, $0x4F0;
	_ =	swait.ge [sflag:s13], $0x80  }
0x35: {  	[sflag:s13] =	ssyncset.done $0x0  }
0x36: {  	s18 =	sadd.s32 s6, s18;
	[sflag:s13] =	ssyncadd.s32 $0xFFFFFF80  }
0x37: {  	[tilespmem:s14], [sflag:$0x2] =	stream.linear.gather [hbm4b:s18+s3], $0x80, $0x38;
	[tilespmem:$0x18900] =	vst v63  }
0x38: {  	_ =	swait.ge [sflag:s13], $0x80  }
0x39: {  	[sflag:s13] =	ssyncset.done $0x0  }
0x3a: {  	[sflag:s13] =	ssyncadd.s32 $0xFFFFFF80  }
0x3b: {  	[tilespmem:s15], [sflag:$0x1] =	stream.indirect.gather [hbm4b:s4+s14], $0x80, s3, s14, $0xb8;
	[tilespmem:$0x18900] =	vst v63  }
0x3c: {  	_ =	swait.ge [sflag:s16], $0x4000  }
.Ltmp2:
0x3d: {  	[sflag:s16] =	ssyncset.done $0x0;
	(pc) =	sbr.rel @p0 .LBB2_6-.Ltmp2, $4  }
0x3e: {  	s18 =	sadd.s32 s21, s11;
	[sflag:s16] =	ssyncadd.s32 $0xFFFFC000  }
0x3f: {  	[spmem:s2] =	stream.indirect.scatter.add.f32 [tilespmem:s15], [sflag:$0x2], $0x80, s14, s14, $0xb8;
	[tilespmem:$0x18900] =	vst v63  }
0x40: {  	s19 =	sand.u32 $0x70, s21;
	s18 =	sand.u32 $0xFFFFF80, s18;
	_ =	swait.ge [sflag:s13], $0x4000  }
0x41: {  	s18 =	sor.u32 s19, s18;
	s19 =	smov.u32 s22;
	[sflag:s13] =	ssyncset.done $0x0  }
0x42: {  	s19 =	sadd.s32 s5, s18;
	[sflag:s13] =	ssyncadd.s32 $0xFFFFC000  }
0x43: {  	[tilespmem:s3], [sflag:$0x2] =	stream.linear.gather [hbm4b:s19+s3], $0x80, $0x38;
	[tilespmem:$0x18900] =	vst v63  }
0x44: {  	_ =	swait.ge [sflag:s13], $0x80  }
0x45: {  	[sflag:s13] =	ssyncset.done $0x0  }
0x46: {  	s30 =	sadd.s32 s6, s18;
	[sflag:s13] =	ssyncadd.s32 $0xFFFFFF80  }
0x47: {  	[tilespmem:s14], [sflag:$0x2] =	stream.linear.gather [hbm4b:s30+s3], $0x80, $0x38;
	[tilespmem:$0x18900] =	vst v63  }
0x48: {  	_ =	swait.ge [sflag:s13], $0x80  }
0x49: {  	[sflag:s13] =	ssyncset.done $0x0  }
0x4a: {  	[sflag:s13] =	ssyncadd.s32 $0xFFFFFF80  }
0x4b: {  	[tilespmem:s15], [sflag:$0x1] =	stream.indirect.gather [hbm4b:s4+s14], $0x80, s3, s14, $0xb8;
	[tilespmem:$0x18900] =	vst v63  }
0x4c: {  	_ =	swait.ge [sflag:s16], $0x4000  }
0x4d: {  	[sflag:s16] =	ssyncset.done $0x0  }
0x4e: {  	[sflag:s16] =	ssyncadd.s32 $0xFFFFC000  }
0x4f: {  	[spmem:s2] =	stream.indirect.scatter.add.f32 [tilespmem:s15], [sflag:$0x2], $0x80, s14, s14, $0xb8;
	[tilespmem:$0x18900] =	vst v63  }
0x50: {  	_ =	swait.ge [sflag:s13], $0x4000  }
0x51: {  	[sflag:s13] =	ssyncset.done $0x0  }
0x52: {  	s31 =	sshll.u32 s1, $0x6;
	[sflag:s13] =	ssyncadd.s32 $0xFFFFC000  }
0x53: {  	s18 =	sor.u32 $0x1C02, s31;
	s19 =	sshrl.u32 s7, $0x3;
	[bflag:$0x0] =	sbarrier.arrive $0xFFFF  }
0x54: {  	[hbm:s8], [sflag:s18] =	dma.local [spmem:s19], $0x2800  }
0x55: {  	_ =	swait.ge [sflag:s13], $0x2800  }
0x56: {  	[sflag:s13] =	ssyncset.done $0x0  }
0x57: {  	[sflag:s13] =	ssyncadd.s32 $0xFFFFD800  }
0x58: {  	s20 =	sadd.s32 $0x0, s7;
	[bflag:$0x0] =	sbarrier.arrive $0xFFFF  }
0x59: {  	[spmem:s20] =	stream.linear.scatter [tilespmem:s12], [sflag:$0x2], $0x800, $0x38;
	[tilespmem:$0x18900] =	vst v63  }
0x5a: {  	s21 =	simm.s32 $0x2000;
	s20 =	simm.s32 $0x0;
	_ =	swait.ge [sflag:s13], $0x800  }
.LBB2_8:
0x5b: {  	s22 =	sshra.s32 s21, $0x2;
	[sflag:s13] =	ssyncset.done $0x0;
	p0 =	sne.s32 s21, $0x4E000  }
.Ltmp3:
0x5c: {  	s22 =	sadd.s32 s22, s7;
	[sflag:s13] =	ssyncadd.s32 $0xFFFFF800;
	(pc) =	sbr.rel @p0 .LBB2_8-.Ltmp3, $3  }
0x5d: {  	[spmem:s22] =	stream.linear.scatter [tilespmem:s12], [sflag:$0x2], $0x800, $0x38;
	[tilespmem:$0x18900] =	vst v63  }
0x5e: {  	s21 =	sadd.s32 $0x2000, s21;
	_ =	sdelay $0x1  }
0x5f: {  	_ =	swait.ge [sflag:s13], $0x800  }
0x60: {  	s21 =	sand.u32 $0xFE00, s20  }
0x61: {  	[sflag:s13] =	ssyncset.done $0x0;
	s22 =	sand.u32 $0x70, s20;
	s23 =	sshrl.u32 s21, $0x2  }
0x62: {  	[sflag:s13] =	ssyncadd.s32 $0xFFFFF800;
	s21 =	simm.s32 $0x40;
	s22 =	sor.u32 s22, s23  }
.LBB2_10:
0x63: {  	p0 =	sne.s32 s21, $0xFFC0  }
0x64: {  	[tilespmem:s22+$0x100] =	vst v1;
	s20 =	sadd.s32 $0x10, s20;
	s22 =	smov.u32 s21;
	s21 =	sadd.s32 $0x40, s21  }
.Ltmp4:
0x65: {  	(pc) =	sbr.rel @p0 .LBB2_10-.Ltmp4, $4  }
0x66: {  	_ = 	snop  }
0x67: {  	s22 =	sand.u32 $0xFE00, s22  }
0x68: {  	s23 =	sand.u32 $0x70, s20;
	s22 =	sshrl.u32 s22, $0x2  }
0x69: {  	s22 =	sor.u32 s23, s22  }
0x6a: {  	s20 =	simm.s32 $0x0  }
0x6b: {  	s21 =	sadd.s32 $0x0, s11;
	s20 =	sand.u32 $0x70, s20  }
0x6c: {  	[tilespmem:s22+$0x100] =	vst v1;
	s21 =	sand.u32 $0xFFFFF80, s21;
	s20 =	sadd.s32 s6, s20  }
0x6d: {  	[bflag:$0x0] =	sbarrier.arrive $0xFFFF;
	s20 =	sadd.s32 s21, s20  }
0x6e: {  	[tilespmem:s14], [sflag:$0x2] =	stream.linear.gather [hbm4b:s20+s3], $0x80, $0x38;
	[tilespmem:$0x18900] =	vst v63  }
0x6f: {  	_ =	swait.ge [sflag:s13], $0x80  }
0x70: {  	s30 =	simm.s32 $0x10;
	[sflag:s13] =	ssyncset.done $0x0  }
0x71: {  	s23 =	sand.u32 $0x70, s30;
	[sflag:s13] =	ssyncadd.s32 $0xFFFFFF80  }
0x72: {  	[spmem:s2] =	stream.indirect.scatter.add.f32 [tilespmem:s15], [sflag:$0x2], $0x80, s14, s14, $0xb8;
	[tilespmem:$0x18900] =	vst v63  }
0x73: {  	s31 =	sadd.s32 $0x10, s11;
	s22 =	sadd.s32 s6, s23;
	_ =	swait.ge [sflag:s13], $0x4000  }
0x74: {  	s21 =	sand.u32 $0xFFFFF80, s31;
	s20 =	simm.s32 $0x20;
	[sflag:s13] =	ssyncset.done $0x0  }
.LBB2_12:
0x75: {  	s21 =	sadd.s32 s21, s22  }
0x76: {  	[sflag:s13] =	ssyncadd.s32 $0xFFFFC000;
	s22 =	smov.u32 s20;
	s23 =	sadd.s32 $0x10, s20  }
0x77: {  	[tilespmem:s14], [sflag:$0x2] =	stream.linear.gather [hbm4b:s21+s3], $0x80, $0x38;
	[tilespmem:$0x18900] =	vst v63  }
0x78: {  	p0 =	sne.s32 s20, $0x4F0;
	_ =	swait.ge [sflag:s13], $0x80  }
.Ltmp5:
0x79: {  	[sflag:s13] =	ssyncset.done $0x0;
	(pc) =	sbr.rel @p0 .LBB2_12-.Ltmp5, $4  }
0x7a: {  	s20 =	sadd.s32 s22, s11;
	[sflag:s13] =	ssyncadd.s32 $0xFFFFFF80  }
0x7b: {  	[spmem:s2] =	stream.indirect.scatter.add.f32 [tilespmem:s15], [sflag:$0x2], $0x80, s14, s14, $0xb8;
	[tilespmem:$0x18900] =	vst v63  }
0x7c: {  	s22 =	sand.u32 $0x70, s22;
	s21 =	sand.u32 $0xFFFFF80, s20;
	_ =	swait.ge [sflag:s13], $0x4000  }
0x7d: {  	s22 =	sadd.s32 s6, s22;
	s20 =	smov.u32 s23;
	[sflag:s13] =	ssyncset.done $0x0  }
0x7e: {  	s20 =	sadd.s32 s21, s22;
	[sflag:s13] =	ssyncadd.s32 $0xFFFFC000  }
0x7f: {  	[tilespmem:s14], [sflag:$0x2] =	stream.linear.gather [hbm4b:s20+s3], $0x80, $0x38;
	[tilespmem:$0x18900] =	vst v63  }
0x80: {  	_ =	swait.ge [sflag:s13], $0x80  }
0x81: {  	[sflag:s13] =	ssyncset.done $0x0  }
0x82: {  	[sflag:s13] =	ssyncadd.s32 $0xFFFFFF80  }
0x83: {  	[spmem:s2] =	stream.indirect.scatter.add.f32 [tilespmem:s15], [sflag:$0x2], $0x80, s14, s14, $0xb8;
	[tilespmem:$0x18900] =	vst v63  }
0x84: {  	_ =	swait.ge [sflag:s13], $0x4000  }
0x85: {  	s17 =	sadd.s32 $0x1, s17;
	[sflag:s13] =	ssyncset.done $0x0  }
0x86: {  	p0 =	sne.s32 s17, s10;
	[sflag:s13] =	ssyncadd.s32 $0xFFFFC000  }
.Ltmp6:
0x87: {  	[bflag:$0x0] =	sbarrier.arrive $0xFFFF;
	(pc) =	sbr.rel @p0 .LBB2_1-.Ltmp6, $4  }
0x88: {  	[hbm:s9], [sflag:s18] =	dma.local [spmem:s19], $0x2800  }
0x89: {  	_ =	swait.ge [sflag:s13], $0x2800  }
0x8a: {  	[sflag:s13] =	ssyncset.done $0x0  }
0x8b: {  	[sflag:s13] =	ssyncadd.s32 $0xFFFFD800  }
0x8c: {  	_ =	sfence.sel $0x180000  }
0x8d: {  	[bflag:$0x0] =	sbarrier.arrive $0xFFFF  }
0x8e: {  	p0 =	sne.s32 s1, $0x0;
	_ =	strace $0x90000047  }
0x8f: {  	s0 =	sadd.s32 @!p0 $0x100000, s0;
	[bflag:$0x2] =	sbarrier.arrive $0xFFFF  }
0x90: {  	[sflag:s0] =	ssyncadd.tile.s32 @!p0 $0x1;
	_ =	shalt  }
.Lfunc_end2:
_tile_overlayer_lowered:
.L_overlay_start_2:
0x91: {  	(tag) =	ssettag $0x2  }
0x92: {  	s0 =	rddreg [dreg:$0x0];
	s2 =	stileid.u32  }
0x93: {  	s1 =	rddreg [dreg:$0x1];
	p0 =	sne.s32 s2, $0x0  }
0x94: {  	s3 =	rddreg [dreg:$0x2];
	[bflag:$0x3] =	sbarrier.arrive $0xFFFF;
	s2 =	simm.s32 @!p0 $0x1C02  }
0x95: {  	[timem:s3], [sflag:s2] =	dma.local @!p0 [hbm:s0], s1  }
0x96: {  	s0 =	simm.s32 @!p0 $0x2  }
0x97: {  	_ =	swait.ge @!p0 [sflag:s0], s1  }
0x98: {  	s1 =	ssub.s32 @!p0 $0x0, s1;
	[sflag:s0] =	ssyncset.done @!p0 $0x0  }
0x99: {  	[sflag:s0] =	ssyncadd.s32 @!p0 s1  }
0x9a: {  	[bflag:$0x3] =	sbarrier.arrive $0xFFFF  }
0x9b: {  	_ =	shalt  }

// kernel: kernel.9.cloned.1.call-start
scs
__scs_entry_jumppad:
0x0: {  	(pc) =	sbr.rel $0x88, $3  }
0x1: {  	(tag) =	ssettag $0x0;
	lr =	simm.s32 $0x1  }
0x2: {  	[smem:$0x3F94] =	sst lr;
	_ =	strace $0xD0000000  }
0x3: {  	_ = 	snop  }
0x4: {  	_ = 	snop  }
0x5: {  	_ = 	snop  }
0x6: {  	_ = 	snop  }
0x7: {  	_ = 	snop  }
__scs_overlays_trampoline_lowered:
0x8: {  	[smem:$0x3FA3] =	sst s0  }
0x9: {  	[smem:$0x3FA4] =	sst s1  }
0xa: {  	[smem:$0x3FA5] =	sst s2  }
0xb: {  	[smem:$0x3FA6] =	sst s3  }
0xc: {  	[smem:$0x3FA7] =	sst s4  }
0xd: {  	[smem:$0x3FA8] =	sst s5  }
0xe: {  	[smem:$0x3FA9] =	sst s6  }
0xf: {  	[smem:$0x3FAA] =	sst s7  }
0x10: {  	[smem:$0x3FAB] =	sst s8  }
0x11: {  	[smem:$0x3FAC] =	sst s9;
	s0 =	simm.s32 @!p0 $0x0  }
0x12: {  	s1 =	sld [smem:$0x3F92];
	s0 =	simm.s32 @p0 $0x1  }
0x13: {  	[smem:$0x3FAD] =	sst s0;
	s0 =	simm.s32 @!p1 $0x0  }
0x14: {  	s2 =	sld [smem:$0x3F91];
	s0 =	simm.s32 @p1 $0x1  }
0x15: {  	[smem:$0x3FAE] =	sst s0;
	s0 =	simm.s32 @!p2 $0x0  }
0x16: {  	s3 =	sld [smem:$0x3FDB];
	s0 =	simm.s32 @p2 $0x1  }
0x17: {  	s4 =	simm.s32 $0x1BF5;
	[smem:$0x3FB0] =	sst s0  }
0x18: {  	s0 =	sld [smem:$0x3F93];
	_ =	swait.ge [sflag:s4], $0x0  }
0x19: {  	s7 =	sld [smem:$0x3F94]  }
0x1a: {  	s8 =	sadd.s32 $0xFFFFE003, lr  }
0x1b: {  	s9 =	sadd.s32 $0xFFFFFEF7, lr;
	s5 =	simm.s32 $0xFFFFFFFF;
	p2 =	slt.u32 s8, $0xFFFFF086  }
0x1c: {  	p1 =	slt.u32 s9, $0xF7A;
	s5 =	simm.s32 @!p2 $0x0  }
0x1d: {  	s5 =	simm.s32 @p1 $0x1;
	p0 =	seq.s32 s7, s2  }
0x1e: {  	s7 =	smul.u32 @!p0 $0xF7A, s2;
	p2 =	seq.s32 @!p0 s5, $0x0  }
0x1f: {  	s9 =	smul.u32 $0xF7A, s1;
	s8 =	simm.s32 @!p0 $0x1BF5;
	p2 =	por !p2, p0  }
0x20: {  	[sflag:s8] =	ssyncset.s32 @!p0 $0xFFFFF086;
	s6 =	sadd.s32 @!p0 s3, s7;
	s7 =	simm.s32 @!p0 $0x108  }
0x21: {  	s3 =	sadd.s32 s3, s9;
	s6 =	sadd.s32 @!p0 $0x88, s6;
	s7 =	simm.s32 @p2 $0x1082  }
0x22: {  	[simem:s7], [sflag:s8] =	dma.local @!p0 [hbm:s6], $0xF7A  }
0x23: {  	s9 =	sor.u32 $0xD0000000, s2;
	s6 =	simm.s32 $0x108;
	_ =	swait.ge @!p0 [sflag:s8], $0x0  }
0x24: {  	s3 =	sadd.s32 $0x88, s3;
	s6 =	simm.s32 @!p1 $0x1082;
	[sflag:s4] =	ssyncset.s32 $0xFFFFF086  }
0x25: {  	[simem:s6], [sflag:s4] =	dma.local [hbm:s3], $0xF7A  }
0x26: {  	[smem:$0x3F94] =	sst s1;
	(tag) =	ssettag s2;
	_ =	strace s9  }
0x27: {  	s1 =	sld [smem:$0x3FA4]  }
0x28: {  	s2 =	sld [smem:$0x3FA5]  }
0x29: {  	s4 =	sld [smem:$0x3FA7]  }
0x2a: {  	p0 =	seq.s32 s5, $0x0;
	s5 =	sld [smem:$0x3FA8]  }
0x2b: {  	s6 =	sld [smem:$0x3FA9]  }
0x2c: {  	s7 =	sld [smem:$0x3FAA]  }
0x2d: {  	s3 =	simm.s32 $0x108;
	s8 =	sld [smem:$0x3FAB]  }
0x2e: {  	s3 =	simm.s32 @!p0 $0x1082;
	s9 =	sld [smem:$0x3FAC]  }
0x2f: {  	lr =	sadd.s32 s0, s3;
	s0 =	sld [smem:$0x3FA3]  }
0x30: {  	s3 =	sld [smem:$0x3FA6]  }
0x31: {  	[smem:$0x3FAF] =	sst s10  }
0x32: {  	s10 =	sld [smem:$0x3FAD];
	_ =	sdelay $0x3  }
0x33: {  	p0 =	seq.s32 s10, $0x1;
	s10 =	sld [smem:$0x3FAF];
	_ =	sdelay $0x3  }
0x34: {  	[smem:$0x3FAF] =	sst s10  }
0x35: {  	s10 =	sld [smem:$0x3FAE];
	_ =	sdelay $0x3  }
0x36: {  	p1 =	seq.s32 s10, $0x1;
	s10 =	sld [smem:$0x3FAF];
	_ =	sdelay $0x3  }
0x37: {  	[smem:$0x3FAF] =	sst s10  }
0x38: {  	s10 =	sld [smem:$0x3FB0]  }
0x39: {  	_ = 	snop;
	(pc) =	sbr.ind lr, $3  }
0x3a: {  	_ = 	snop  }
0x3b: {  	_ = 	snop  }
0x3c: {  	p2 =	seq.s32 s10, $0x1;
	s10 =	sld [smem:$0x3FAF]  }
0x3d: {  	_ =	shalt  }
0x3e: {  	_ =	shalt  }
0x3f: {  	_ =	shalt  }
0x40: {  	_ =	shalt  }
0x41: {  	_ =	shalt  }
0x42: {  	_ =	shalt  }
0x43: {  	_ =	shalt  }
0x44: {  	_ =	shalt  }
0x45: {  	_ =	shalt  }
0x46: {  	_ =	shalt  }
0x47: {  	_ =	shalt  }
0x48: {  	_ =	shalt  }
0x49: {  	_ =	shalt  }
0x4a: {  	_ =	shalt  }
0x4b: {  	_ =	shalt  }
0x4c: {  	_ =	shalt  }
0x4d: {  	_ =	shalt  }
0x4e: {  	_ =	shalt  }
0x4f: {  	_ =	shalt  }
0x50: {  	_ =	shalt  }
0x51: {  	_ =	shalt  }
0x52: {  	_ =	shalt  }
0x53: {  	_ =	shalt  }
0x54: {  	_ =	shalt  }
0x55: {  	_ =	shalt  }
0x56: {  	_ =	shalt  }
0x57: {  	_ =	shalt  }
0x58: {  	_ =	shalt  }
0x59: {  	_ =	shalt  }
0x5a: {  	_ =	shalt  }
0x5b: {  	_ =	shalt  }
0x5c: {  	_ =	shalt  }
0x5d: {  	_ =	shalt  }
0x5e: {  	_ =	shalt  }
0x5f: {  	_ =	shalt  }
0x60: {  	_ =	shalt  }
0x61: {  	_ =	shalt  }
0x62: {  	_ =	shalt  }
0x63: {  	_ =	shalt  }
0x64: {  	_ =	shalt  }
0x65: {  	_ =	shalt  }
0x66: {  	_ =	shalt  }
0x67: {  	_ =	shalt  }
0x68: {  	_ =	shalt  }
0x69: {  	_ =	shalt  }
0x6a: {  	_ =	shalt  }
0x6b: {  	_ =	shalt  }
0x6c: {  	_ =	shalt  }
0x6d: {  	_ =	shalt  }
0x6e: {  	_ =	shalt  }
0x6f: {  	_ =	shalt  }
0x70: {  	_ =	shalt  }
0x71: {  	_ =	shalt  }
0x72: {  	_ =	shalt  }
0x73: {  	_ =	shalt  }
0x74: {  	_ =	shalt  }
0x75: {  	_ =	shalt  }
0x76: {  	_ =	shalt  }
0x77: {  	_ =	shalt  }
0x78: {  	_ =	shalt  }
0x79: {  	_ =	shalt  }
0x7a: {  	_ =	shalt  }
0x7b: {  	_ =	shalt  }
0x7c: {  	_ =	shalt  }
0x7d: {  	_ =	shalt  }
0x7e: {  	_ =	shalt  }
0x7f: {  	_ =	shalt  }
0x80: {  	_ =	shalt  }
0x81: {  	_ =	shalt  }
0x82: {  	_ =	shalt  }
0x83: {  	_ =	shalt  }
0x84: {  	_ =	shalt  }
0x85: {  	_ =	shalt  }
0x86: {  	_ =	shalt  }
0x87: {  	_ =	shalt  }
.Lfunc_end0:
.L_simem_size_0:
called_computation.1_lowered:
.L_overlay_start_0:
0x88: {  	s2 =	sld [smem:$0x3FD9]  }
0x89: {  	s3 =	sld [smem:$0x3FFE];
	_ =	sdelay $0x1  }
0x8a: {  	s1 =	srdreg.scid  }
0x8b: {  	s0 =	sand.u32 $0x1, s1  }
0x8c: {  	s16 =	sshll.u32 s0, $0xA;
	s2 =	sadd.s32 s3, s2  }
0x8d: {  	s2 =	sadd.s32 s2, s16  }
0x8e: {  	[smem:$0x3FBB] =	sst s2  }
0x8f: {  	_ = 	snop  }
0x90: {  	(tm) =	ssettm $0x1  }
0x91: {  	s17 =	sld [smem:$0x3FFB];
	_ =	sdelay $0x3  }
0x92: {  	_ =	strace s17  }
0x93: {  	s2 =	sld [smem:$0x3FFC];
	_ =	sdelay $0x3  }
0x94: {  	_ =	strace s2  }
0x95: {  	s2 =	sld [smem:$0x3FFD];
	_ =	sdelay $0x3  }
0x96: {  	_ =	strace s2  }
0x97: {  	_ =	strace $0x8FFFFFFF  }
0x98: {  	s18 =	sld [smem:$0x3FDB];
	_ =	sdelay $0x1  }
0x99: {  	s19 =	simm.s32 $_scs_section_size  }
0x9a: {  	s4 =	simm.s32 $_size__tile_overlayer_lowered;
	s5 =	simm.s32 $_tile_overlayer_lowered  }
0x9b: {  	s22 =	simm.s32 $0x1BFF;
	s21 =	sshll.u32 s5, $0x1;
	s2 =	sadd.s32 s19, s18  }
0x9c: {  	s6 =	simm.s32 $0x0;
	s20 =	sshll.u32 s4, $0x1;
	s4 =	sadd.s32 s21, s2  }
0x9d: {  	[timem:s6], [sflag:s22] =	dma.local [hbm:s4], s20  }
0x9e: {  	_ =	swait.ge [sflag:s22], s20  }
0x9f: {  	s3 =	ssub.s32 $0x0, s20;
	[sflag:s22] =	ssyncset.done $0x0  }
0xa0: {  	[sflag:s22] =	ssyncadd.s32 s3;
	_ =	sdelay $0x1  }
0xa1: {  	s23 =	simm.s32 $0x1B8B  }
0xa2: {  	_ =	swait.ge [sflag:s23], $0x1  }
0xa3: {  	[sflag:s23] =	ssyncset.done $0x0  }
0xa4: {  	s25 =	simm.s32 $0x1B8E;
	s24 =	sld [smem:$0x3FFE];
	[sflag:s23] =	ssyncadd.s32 $0xFFFFFFFF  }
0xa5: {  	s26 =	simm.s32 $execute0_lowered;
	[smem:$0x3FD2] =	sst s25  }
0xa6: {  	s4 =	sshll.u32 s26, $0x1;
	_ =	strace $0x80000049;
	[dreg:$0x1] =	wrdreg $0xFFFFFFFF  }
0xa7: {  	s28 =	simm.s32 $_size_execute0_lowered;
	s2 =	sadd.s32 s2, s4;
	[dreg:$0x0] =	wrdreg $0x0  }
0xa8: {  	s4 =	sshll.u32 s28, $0x1;
	[dreg:$0x2] =	wrdreg s2  }
0xa9: {  	[dreg:$0x3] =	wrdreg s4  }
0xaa: {  	[dreg:$0x4] =	wrdreg $0xC0  }
0xab: {  	_ =	task [dreg:s6], $0x5FFFF  }
0xac: {  	[dreg:$0x1] =	wrdreg $0xFFFFFFFF  }
0xad: {  	[dreg:$0x0] =	wrdreg $0x60  }
0xae: {  	[dreg:$0x2] =	wrdreg s24  }
0xaf: {  	[dreg:$0x3] =	wrdreg $0x49000  }
0xb0: {  	[dreg:$0x4] =	wrdreg $0x9  }
0xb1: {  	_ =	task.clear_ibuf [dreg:s6], $0x5FFFF;
	_ =	strace $0x90000049  }
0xb2: {  	s29 =	simm.s32 $0x9;
	_ =	strace $0x8000004B  }
0xb3: {  	_ =	swait.ge [sflag:s29], $0x1  }
0xb4: {  	[sflag:s29] =	ssyncadd.s32 $0xFFFFFFFF  }
0xb5: {  	_ =	strace $0x9000004B  }
0xb6: {  	_ =	sfence  }
0xb7: {  	s30 =	sld [smem:$0x0];
	_ =	sdelay $0x2  }
0xb8: {  	s31 =	sshll.u32 s1, $0xD;
	s1 =	sshrl.u32 s1, $0x2  }
0xb9: {  	s3 =	sand.u32 $0x4000, s31;
	s1 =	sadd.s32 s1, s30  }
0xba: {  	s0 =	sor.u32 s3, s0;
	s1 =	sshll.u32 s1, $0x11  }
0xbb: {  	s0 =	sor.u32 s1, s0  }
0xbc: {  	s0 =	sadd.s32 $0x8F2B, s0  }
0xbd: {  	[sflag:s0] =	ssyncadd.remote.s32 $0x1  }
0xbe: {  	_ =	sfence.sel $0xFFFF  }
0xbf: {  	[dreg:$0x0] =	wrdreg $0xFFFFFFFF;
	(pc) =	sbr.abs _section_cstart, $3  }
0xc0: {  	[dreg:$0x1] =	wrdreg $0xFFFFFFFF  }
0xc1: {  	_ =	task.clear_ibuf [dreg:s6], $0x2FFFF;
	_ =	strace $0x9FFFFFFF  }
0xc2: {  	(tm) =	ssettm $0x7FFFFFFF  }
0xc3: {  	_ =	shalt  }
tec
execute0_lowered:
.L_overlay_start_1:
0x0: {  	(tag) =	ssettag $0x1  }
0x1: {  	s7 =	rddreg [dreg:$0x0]  }
0x2: {  	s2 =	rddreg [dreg:$0x1]  }
0x3: {  	s0 =	rddreg [dreg:$0x2]  }
0x4: {  	s3 =	simm.s32 $0x0;
	s4 =	srdreg.scid;
	s1 =	stileid.u32  }
0x5: {  	s14 =	simm.s32 $0x100;
	s15 =	simm.s32 $0x1;
	s18 =	simm.s32 $0x0  }
0x6: {  	[smem:$0x7FF] =	sst s3;
	s8 =	sand.u32 $0x1, s4;
	s9 =	smul.u32 $0x2800, s1  }
0x7: {  	s4 =	sadd.s32 $0x3400, s7;
	s5 =	sadd.s32 $0x35400, s7;
	s11 =	smul.u32 $0x50000, s1  }
0x8: {  	s6 =	sadd.s32 $0x2B400, s7;
	s13 =	smul.u32 $0x500, s1;
	s16 =	sshll.u32 s1, $0x6  }
0x9: {  	_ =	strace $0x8000004A;
	s10 =	smul.u32 $0x28000, s8;
	s30 =	ssub.s32 $0x2, s8  }
0xa: {  	s12 =	smul.u32 $0x5000, s8;
	s16 =	sor.u32 $0x1C02, s16;
	s31 =	sshrl.u32 s30, $0x1  }
0xb: {  	s11 =	sshrl.u32 s11, $0x2;
	s9 =	sadd.s32 s9, s10;
	s10 =	ssub.s32 s30, s31  }
0xc: {  	s9 =	sadd.s32 s9, s7;
	s7 =	sadd.s32 s11, s2;
	s11 =	simm.s32 $0x4100  }
0xd: {  	s8 =	sadd.s32 $0x3F400, s9;
	s9 =	smax.u32 s10, $0x1;
	s10 =	sadd.s32 s13, s12  }
0xe: {  	v0 =	vimm.f32 $0.0e+00;
	s12 =	simm.s32 $0x2;
	s13 =	simm.s32 $0x80;
	s17 =	sshrl.u32 s7, $0x3  }
.LBB2_1:
0xf: {  	s19 =	simm.s32 $0x0;
	s20 =	simm.s32 $0x0  }
.LBB2_2:
0x10: {  	p0 =	sne.s32 s20, $0x1FC0  }
.Ltmp0:
0x11: {  	_ = 	snop;
	(pc) =	sbr.rel @p0 .LBB2_2-.Ltmp0, $4  }
0x12: {  	s21 =	sand.u32 $0x1E00, s20  }
0x13: {  	s22 =	sand.u32 $0x70, s19;
	s21 =	sshrl.u32 s21, $0x2  }
0x14: {  	s21 =	sor.u32 s22, s21  }
0x15: {  	s19 =	sadd.s32 $0x10, s19;
	s20 =	sadd.s32 $0x40, s20;
	[tilespmem:s21+$0x4100] =	vst v0  }
0x16: {  	s19 =	sadd.s32 $0x0, s7  }
0x17: {  	[spmem:s19] =	stream.linear.scatter [tilespmem:s11], [sflag:$0x2], $0x800, $0x38;
	[tilespmem:$0x18900] =	vst v63  }
0x18: {  	s19 =	simm.s32 $0x2000;
	_ =	swait.ge [sflag:s12], $0x800  }
.LBB2_4:
0x19: {  	s20 =	sshra.s32 s19, $0x2;
	[sflag:s12] =	ssyncset.done $0x0;
	p0 =	sne.s32 s19, $0x4E000  }
.Ltmp1:
0x1a: {  	s20 =	sadd.s32 s20, s7;
	[sflag:s12] =	ssyncadd.s32 $0xFFFFF800;
	(pc) =	sbr.rel @p0 .LBB2_4-.Ltmp1, $3  }
0x1b: {  	[spmem:s20] =	stream.linear.scatter [tilespmem:s11], [sflag:$0x2], $0x800, $0x38;
	[tilespmem:$0x18900] =	vst v63  }
0x1c: {  	s19 =	sadd.s32 $0x2000, s19;
	_ =	sdelay $0x1  }
0x1d: {  	_ =	swait.ge [sflag:s12], $0x800  }
0x1e: {  	s19 =	simm.s32 $0x0;
	s20 =	sadd.s32 $0x0, s10  }
0x1f: {  	[sflag:s12] =	ssyncset.done $0x0;
	s20 =	sand.u32 $0xFFFFF80, s20;
	s19 =	sand.u32 $0x70, s19  }
0x20: {  	[sflag:s12] =	ssyncadd.s32 $0xFFFFF800;
	s19 =	sor.u32 s19, s20  }
0x21: {  	[bflag:$0x0] =	sbarrier.arrive $0xFFFF;
	s20 =	sadd.s32 s5, s19  }
0x22: {  	[tilespmem:s3], [sflag:$0x2] =	stream.linear.gather [hbm4b:s20+s3], $0x80, $0x38;
	[tilespmem:$0x18900] =	vst v63  }
0x23: {  	_ =	swait.ge [sflag:s12], $0x80  }
0x24: {  	[sflag:s12] =	ssyncset.done $0x0  }
0x25: {  	s19 =	sadd.s32 s6, s19;
	[sflag:s12] =	ssyncadd.s32 $0xFFFFFF80  }
0x26: {  	[tilespmem:s13], [sflag:$0x2] =	stream.linear.gather [hbm4b:s19+s3], $0x80, $0x38;
	[tilespmem:$0x18900] =	vst v63  }
0x27: {  	_ =	swait.ge [sflag:s12], $0x80  }
0x28: {  	[sflag:s12] =	ssyncset.done $0x0  }
0x29: {  	[sflag:s12] =	ssyncadd.s32 $0xFFFFFF80  }
0x2a: {  	[tilespmem:s14], [sflag:$0x1] =	stream.indirect.gather [hbm4b:s4+s13], $0x80, s3, s13, $0xb8;
	[tilespmem:$0x18900] =	vst v63  }
0x2b: {  	_ =	swait.ge [sflag:s15], $0x4000  }
0x2c: {  	[sflag:s15] =	ssyncset.done $0x0  }
0x2d: {  	s30 =	simm.s32 $0x10;
	s31 =	sadd.s32 $0x10, s10;
	[sflag:s15] =	ssyncadd.s32 $0xFFFFC000  }
0x2e: {  	[spmem:s2] =	stream.indirect.scatter.add.f32 [tilespmem:s14], [sflag:$0x2], $0x80, s13, s13, $0xb8;
	[tilespmem:$0x18900] =	vst v63  }
0x2f: {  	s21 =	sand.u32 $0xFFFFF80, s31;
	s19 =	sand.u32 $0x70, s30;
	_ =	swait.ge [sflag:s12], $0x4000  }
0x30: {  	s20 =	simm.s32 $0x20;
	s19 =	sor.u32 s19, s21;
	[sflag:s12] =	ssyncset.done $0x0  }
.LBB2_6:
0x31: {  	s21 =	sadd.s32 s5, s19  }
0x32: {  	[sflag:s12] =	ssyncadd.s32 $0xFFFFC000;
	s22 =	smov.u32 s20;
	s23 =	sadd.s32 $0x10, s20  }
0x33: {  	[tilespmem:s3], [sflag:$0x2] =	stream.linear.gather [hbm4b:s21+s3], $0x80, $0x38;
	[tilespmem:$0x18900] =	vst v63  }
0x34: {  	p0 =	sne.s32 s20, $0x4F0;
	_ =	swait.ge [sflag:s12], $0x80  }
0x35: {  	[sflag:s12] =	ssyncset.done $0x0  }
0x36: {  	s19 =	sadd.s32 s6, s19;
	[sflag:s12] =	ssyncadd.s32 $0xFFFFFF80  }
0x37: {  	[tilespmem:s13], [sflag:$0x2] =	stream.linear.gather [hbm4b:s19+s3], $0x80, $0x38;
	[tilespmem:$0x18900] =	vst v63  }
0x38: {  	_ =	swait.ge [sflag:s12], $0x80  }
0x39: {  	[sflag:s12] =	ssyncset.done $0x0  }
0x3a: {  	[sflag:s12] =	ssyncadd.s32 $0xFFFFFF80  }
0x3b: {  	[tilespmem:s14], [sflag:$0x1] =	stream.indirect.gather [hbm4b:s4+s13], $0x80, s3, s13, $0xb8;
	[tilespmem:$0x18900] =	vst v63  }
0x3c: {  	_ =	swait.ge [sflag:s15], $0x4000  }
.Ltmp2:
0x3d: {  	[sflag:s15] =	ssyncset.done $0x0;
	(pc) =	sbr.rel @p0 .LBB2_6-.Ltmp2, $4  }
0x3e: {  	s19 =	sadd.s32 s22, s10;
	[sflag:s15] =	ssyncadd.s32 $0xFFFFC000  }
0x3f: {  	[spmem:s2] =	stream.indirect.scatter.add.f32 [tilespmem:s14], [sflag:$0x2], $0x80, s13, s13, $0xb8;
	[tilespmem:$0x18900] =	vst v63  }
0x40: {  	s20 =	sand.u32 $0x70, s22;
	s19 =	sand.u32 $0xFFFFF80, s19;
	_ =	swait.ge [sflag:s12], $0x4000  }
0x41: {  	s19 =	sor.u32 s20, s19;
	s20 =	smov.u32 s23;
	[sflag:s12] =	ssyncset.done $0x0  }
0x42: {  	s20 =	sadd.s32 s5, s19;
	[sflag:s12] =	ssyncadd.s32 $0xFFFFC000  }
0x43: {  	[tilespmem:s3], [sflag:$0x2] =	stream.linear.gather [hbm4b:s20+s3], $0x80, $0x38;
	[tilespmem:$0x18900] =	vst v63  }
0x44: {  	_ =	swait.ge [sflag:s12], $0x80  }
0x45: {  	[sflag:s12] =	ssyncset.done $0x0  }
0x46: {  	s31 =	sadd.s32 s6, s19;
	[sflag:s12] =	ssyncadd.s32 $0xFFFFFF80  }
0x47: {  	[tilespmem:s13], [sflag:$0x2] =	stream.linear.gather [hbm4b:s31+s3], $0x80, $0x38;
	[tilespmem:$0x18900] =	vst v63  }
0x48: {  	_ =	swait.ge [sflag:s12], $0x80  }
0x49: {  	[sflag:s12] =	ssyncset.done $0x0  }
0x4a: {  	[sflag:s12] =	ssyncadd.s32 $0xFFFFFF80  }
0x4b: {  	[tilespmem:s14], [sflag:$0x1] =	stream.indirect.gather [hbm4b:s4+s13], $0x80, s3, s13, $0xb8;
	[tilespmem:$0x18900] =	vst v63  }
0x4c: {  	_ =	swait.ge [sflag:s15], $0x4000  }
0x4d: {  	[sflag:s15] =	ssyncset.done $0x0  }
0x4e: {  	[sflag:s15] =	ssyncadd.s32 $0xFFFFC000  }
0x4f: {  	[spmem:s2] =	stream.indirect.scatter.add.f32 [tilespmem:s14], [sflag:$0x2], $0x80, s13, s13, $0xb8;
	[tilespmem:$0x18900] =	vst v63  }
0x50: {  	_ =	swait.ge [sflag:s12], $0x4000  }
0x51: {  	s18 =	sadd.s32 $0x1, s18;
	[sflag:s12] =	ssyncset.done $0x0  }
0x52: {  	p0 =	sne.s32 s18, s9;
	[sflag:s12] =	ssyncadd.s32 $0xFFFFC000  }
.Ltmp3:
0x53: {  	[bflag:$0x0] =	sbarrier.arrive $0xFFFF;
	(pc) =	sbr.rel @p0 .LBB2_1-.Ltmp3, $4  }
0x54: {  	[hbm:s8], [sflag:s16] =	dma.local [spmem:s17], $0x2800  }
0x55: {  	_ =	swait.ge [sflag:s12], $0x2800  }
0x56: {  	[sflag:s12] =	ssyncset.done $0x0  }
0x57: {  	[sflag:s12] =	ssyncadd.s32 $0xFFFFD800  }
0x58: {  	_ =	sfence.sel $0x180000  }
0x59: {  	[bflag:$0x0] =	sbarrier.arrive $0xFFFF  }
0x5a: {  	p0 =	sne.s32 s1, $0x0;
	_ =	strace $0x9000004A  }
0x5b: {  	s0 =	sadd.s32 @!p0 $0x100000, s0;
	[bflag:$0x2] =	sbarrier.arrive $0xFFFF  }
0x5c: {  	[sflag:s0] =	ssyncadd.tile.s32 @!p0 $0x1;
	_ =	shalt  }
.Lfunc_end2:
_tile_overlayer_lowered:
.L_overlay_start_2:
0x5d: {  	(tag) =	ssettag $0x2  }
0x5e: {  	s0 =	rddreg [dreg:$0x0];
	s2 =	stileid.u32  }
0x5f: {  	s1 =	rddreg [dreg:$0x1];
	p0 =	sne.s32 s2, $0x0  }
0x60: {  	s3 =	rddreg [dreg:$0x2];
	[bflag:$0x3] =	sbarrier.arrive $0xFFFF;
	s2 =	simm.s32 @!p0 $0x1C02  }
0x61: {  	[timem:s3], [sflag:s2] =	dma.local @!p0 [hbm:s0], s1  }
0x62: {  	s0 =	simm.s32 @!p0 $0x2  }
0x63: {  	_ =	swait.ge @!p0 [sflag:s0], s1  }
0x64: {  	s1 =	ssub.s32 @!p0 $0x0, s1;
	[sflag:s0] =	ssyncset.done @!p0 $0x0  }
0x65: {  	[sflag:s0] =	ssyncadd.s32 @!p0 s1  }
0x66: {  	[bflag:$0x3] =	sbarrier.arrive $0xFFFF  }
0x67: {  	_ =	shalt  }

</sc_bundles>
